<compile_context>
chip_gen: v7x
topology: tpu7x:2x2x1
jax: 0.10.2.dev20260603
libtpu: 0.0.44.dev20260713+nightly
codegen_flags: <defaults>
</compile_context>

<pallas_src>
import functools

import jax
import jax.numpy as jnp
from jax import lax
from jax.experimental import pallas as pl
from jax.experimental.pallas import tpu as pltpu
from jax.experimental.pallas import tpu_sc as plsc

T = 1024
NH = 4
NBK = 16
NC = NH * NBK
CS = 64
D = 64
DR = 128
NP = 128
NE = NH * T
NROWS = NP * NE


def _stage_a_body(qk_ref, v_ref, rot_ref, ltri_ref, pos_ref, qv_ref):
    n = pl.program_id(0)
    qk = qk_ref[0]
    rot = rot_ref[0]
    rotated = jnp.dot(qk, rot, preferred_element_type=jnp.float32)

    iota16 = lax.broadcasted_iota(jnp.int32, (T, NBK), 1)
    onehots = []
    for h in range(NH):
        r = rotated[:, 8 * h:8 * h + 8]
        r16 = jnp.concatenate([r, -r], axis=1)
        m = jnp.max(r16, axis=1, keepdims=True)
        bh = jnp.min(jnp.where(r16 == m, iota16, NBK), axis=1,
                     keepdims=True)
        onehots.append((bh == iota16).astype(jnp.float32))

    o_all = jnp.concatenate(onehots, axis=1)
    e_all = jnp.dot(ltri_ref[...], o_all.astype(jnp.bfloat16),
                    preferred_element_type=jnp.float32)
    cnt64 = jnp.sum(o_all, axis=0, keepdims=True)
    u_r = lax.broadcasted_iota(jnp.int32, (NC, NC), 0)
    u_c = lax.broadcasted_iota(jnp.int32, (NC, NC), 1)
    ustrict = (u_r < u_c).astype(jnp.float32)
    off64 = jnp.dot(cnt64, ustrict, preferred_element_type=jnp.float32,
                    precision=lax.Precision.HIGHEST)
    m_all = e_all + off64

    base = n * NE
    for h in range(NH):
        sl = slice(NBK * h, NBK * h + NBK)
        posf = jnp.sum(onehots[h] * m_all[:, sl], axis=1, keepdims=True)
        posi = posf.astype(jnp.int32) + base
        pos_ref[0, pl.ds(h * T, T), :] = posi

    v = v_ref[0]
    toks_i = lax.broadcasted_iota(jnp.int32, (T, 1), 0)
    v0b = lax.bitcast_convert_type(v[:, 0:1], jnp.int32)
    v0_enc = lax.bitcast_convert_type((v0b & ~1023) | toks_i, jnp.float32)
    qv_ref[0] = jnp.concatenate([qk, v0_enc, v[:, 1:]], axis=1)


_stage_a = pl.pallas_call(
    _stage_a_body,
    grid=(NP,),
    in_specs=[
        pl.BlockSpec((1, T, D), lambda n: (n, 0, 0)),
        pl.BlockSpec((1, T, D), lambda n: (n % 32, 0, 0)),
        pl.BlockSpec((1, D, 32), lambda n: (n // 32, 0, 0)),
        pl.BlockSpec((T, T), lambda n: (0, 0)),
    ],
    out_specs=[
        pl.BlockSpec((1, NE, 1), lambda n: (n, 0, 0)),
        pl.BlockSpec((1, T, DR), lambda n: (n, 0, 0)),
    ],
    out_shape=[
        jax.ShapeDtypeStruct((NP, NE, 1), jnp.int32),
        jax.ShapeDtypeStruct((NP, T, DR), jnp.float32),
    ],
)


_GQ = 256
_GK = _GQ + CS
_NG = NE // _GQ


def _stage_b_body(sq_ref, eye_ref, band_ref, so_ref):
    dn = (((1,), (1,)), ((), ()))
    blk = sq_ref[0]
    qk = blk[:, :D]
    nrm = jnp.sqrt(jnp.sum(qk * qk, axis=1, keepdims=True)) + 1e-6
    kn = qk * (1.0 / nrm)

    v0b = lax.bitcast_convert_type(blk[:, D:D + 1], jnp.int32)
    v0c = lax.bitcast_convert_type(v0b & ~1023, jnp.float32)
    vmat = jnp.concatenate([v0c, blk[:, D + 1:],
                            jnp.ones((NE, 1), jnp.float32)], axis=1)

    tok = (v0b & 1023).astype(jnp.float32)
    eye512 = eye_ref[...]
    tokT = jnp.concatenate(
        [lax.dot_general(tok[i * 512:(i + 1) * 512], eye512,
                         (((0,), (0,)), ((), ())),
                         preferred_element_type=jnp.float32,
                         precision=lax.Precision.HIGHEST)
         for i in range(NE // 512)], axis=1)

    band = band_ref[...]

    zpad = jnp.zeros((_GQ, DR - D - 1), jnp.float32)
    for g in range(_NG):
        q0 = g * _GQ
        if g == 0:
            kk = jnp.concatenate([kn[NE - CS:], kn[:_GQ]], axis=0)
            vv = jnp.concatenate([vmat[NE - CS:], vmat[:_GQ]], axis=0)
            ktT = jnp.concatenate([tokT[:, NE - CS:], tokT[:, :_GQ]], axis=1)
        else:
            kk = kn[q0 - CS:q0 + _GQ]
            vv = vmat[q0 - CS:q0 + _GQ]
            ktT = tokT[:, q0 - CS:q0 + _GQ]
        qq = qk[q0:q0 + _GQ]
        qt = tok[q0:q0 + _GQ]
        dots = lax.dot_general(qq, kk, dn,
                               preferred_element_type=jnp.float32) * 0.125
        valid = band * (qt != ktT).astype(jnp.float32)
        ex = jnp.exp(dots) * valid
        bo_sm = jnp.dot(ex, vv, preferred_element_type=jnp.float32)
        sm = bo_sm[:, D:D + 1]
        lg = jnp.log(sm)
        bo = bo_sm[:, :D] * (1.0 / sm)
        so_ref[0, q0:q0 + _GQ, :] = jnp.concatenate([bo, lg, zpad], axis=1)


_stage_b = pl.pallas_call(
    _stage_b_body,
    grid=(NP,),
    in_specs=[
        pl.BlockSpec((1, NE, DR), lambda n: (n, 0, 0)),
        pl.BlockSpec((512, 512), lambda n: (0, 0)),
        pl.BlockSpec((_GQ, _GK), lambda n: (0, 0)),
    ],
    out_specs=pl.BlockSpec((1, NE, DR), lambda n: (n, 0, 0)),
    out_shape=jax.ShapeDtypeStruct((NP, NE, DR), jnp.float32),
)


def _stage_d_body(ou_ref, out_ref):
    os_ = []
    lgs = []
    for h in range(NH):
        blk = ou_ref[0, pl.ds(h * T, T), :]
        os_.append(blk[:, :D])
        lgs.append(blk[:, D:D + 1])
    lg = jnp.concatenate(lgs, axis=1)
    m = jnp.max(lg, axis=1, keepdims=True)
    s = jnp.sum(jnp.exp(lg - m), axis=1, keepdims=True)
    acc = jnp.zeros((T, D), jnp.float32)
    for h in range(NH):
        w = jnp.exp(lgs[h] - m) / s
        acc = acc + os_[h] * w
    out_ref[0] = acc


_stage_d = pl.pallas_call(
    _stage_d_body,
    grid=(NP,),
    in_specs=[pl.BlockSpec((1, NE, DR), lambda n: (n, 0, 0))],
    out_specs=pl.BlockSpec((1, T, D), lambda n: (n, 0, 0)),
    out_shape=jax.ShapeDtypeStruct((NP, T, D), jnp.float32),
)


_NWORK = 32
_TILE = 128
_P_PER_W = NP // _NWORK
_TILES_PER_P = NE // _TILE


@functools.lru_cache(maxsize=None)
def _build_sc_kernels():
    mesh = plsc.VectorSubcoreMesh(core_axis_name="c", subcore_axis_name="s")

    @functools.partial(
        pl.kernel,
        mesh=mesh,
        out_type=jax.ShapeDtypeStruct((NROWS, DR), jnp.float32),
        scratch_types=[
            pltpu.VMEM((_TILE,), jnp.int32),
            pltpu.VMEM((_TILE, DR), jnp.float32),
            pltpu.SemaphoreType.DMA,
        ],
    )
    def _sc_scatter(qv_hbm, pos_hbm, oqv_hbm, idx_v, qr, sem):
        wid = lax.axis_index("s") * 2 + lax.axis_index("c")

        def body(t, carry):
            n = wid * _P_PER_W + t // _TILES_PER_P
            e0 = lax.rem(t, _TILES_PER_P) * _TILE
            t0 = lax.rem(e0, T)
            pltpu.sync_copy(pos_hbm.at[n, pl.ds(e0, _TILE)], idx_v)
            pltpu.sync_copy(qv_hbm.at[pl.ds(n * T + t0, _TILE)], qr)
            pltpu.async_copy(qr, oqv_hbm.at[idx_v], sem).wait()
            return carry

        lax.fori_loop(0, _P_PER_W * _TILES_PER_P, body, 0)

    @functools.partial(
        pl.kernel,
        mesh=mesh,
        out_type=jax.ShapeDtypeStruct((NROWS, DR), jnp.float32),
        scratch_types=[
            pltpu.VMEM((_TILE,), jnp.int32),
            pltpu.VMEM((_TILE, DR), jnp.float32),
            pltpu.SemaphoreType.DMA,
        ],
    )
    def _sc_gather(so_hbm, pos_hbm, ou_hbm, idx_v, rows, sem):
        wid = lax.axis_index("s") * 2 + lax.axis_index("c")

        def body(t, carry):
            n = wid * _P_PER_W + t // _TILES_PER_P
            e0 = lax.rem(t, _TILES_PER_P) * _TILE
            pltpu.sync_copy(pos_hbm.at[n, pl.ds(e0, _TILE)], idx_v)
            pltpu.async_copy(so_hbm.at[idx_v], rows, sem).wait()
            pltpu.sync_copy(rows, ou_hbm.at[pl.ds(n * NE + e0, _TILE)])
            return carry

        lax.fori_loop(0, _P_PER_W * _TILES_PER_P, body, 0)

    return _sc_scatter, _sc_gather


def kernel(query, key, value, rotations):
    B, S, H, d = query.shape
    q_r = (query.reshape(B, 4, T, H, d)
           .transpose(1, 0, 3, 2, 4)
           .reshape(NP, T, d))
    v_r = value.transpose(0, 2, 1, 3).reshape(B * H, T, d)
    rot_r = rotations.reshape(4, d, 32)

    sc_scatter, sc_gather = _build_sc_kernels()

    r_i = lax.broadcasted_iota(jnp.int32, (T, T), 0)
    c_i = lax.broadcasted_iota(jnp.int32, (T, T), 1)
    ltri = (r_i > c_i).astype(jnp.bfloat16)
    e_r = lax.broadcasted_iota(jnp.int32, (512, 512), 0)
    e_c = lax.broadcasted_iota(jnp.int32, (512, 512), 1)
    eye512 = (e_r == e_c).astype(jnp.float32)
    rr = lax.broadcasted_iota(jnp.int32, (_GQ, _GK), 0)
    cc = lax.broadcasted_iota(jnp.int32, (_GQ, _GK), 1)
    bb = (rr // CS) * CS
    band = ((cc >= bb) & (cc < bb + 2 * CS)).astype(jnp.float32)

    pos3, qv = _stage_a(q_r, v_r, rot_r, ltri)
    pos = pos3.reshape(NP, NE)
    sqv = sc_scatter(qv.reshape(NP * T, DR), pos)
    so = _stage_b(sqv.reshape(NP, NE, DR), eye512, band)
    ou = sc_gather(so.reshape(NROWS, DR), pos)
    out = _stage_d(ou.reshape(NP, NE, DR))
    att = (out.reshape(4, B, H, T, d)
           .transpose(1, 2, 0, 3, 4)
           .reshape(B, H, S, d))
    return att

# --- scband reference (transcript-rebuilt; emitter-appended) ---
"""Pipeline reference for scband-batch-reformer-22728966930488 (READ-ONLY COPY).

The authoritative reference and input builder live on the scoring server;
editing this copy changes nothing except your own understanding.
"""

import jax, jax.numpy as jnp
import numpy as np

BUCKET_SIZE = 64
N_HASHES = 4

def _look_back(x):
    return jnp.concatenate([x, jnp.roll(x, 1, axis=1)], axis=2)

def _lsh_attention(qk, v, rot, bucket_size, n_hashes):
    Bh, T, d = qk.shape
    n_buckets = T // bucket_size
    # LSH hashing via random rotations: rot is (d, n_hashes, n_buckets//2)
    rotated = jnp.einsum('btd,dhr->bhtr', qk, rot)
    rotated = jnp.concatenate([rotated, -rotated], axis=-1)  # (Bh, n_hashes, T, n_buckets)
    buckets = jnp.argmax(rotated, axis=-1)  # (Bh, n_hashes, T)
    offsets = (jnp.arange(n_hashes) * n_buckets)[None, :, None]
    buckets = (buckets + offsets).reshape(Bh, n_hashes * T)
    ticker = jnp.broadcast_to(jnp.arange(n_hashes * T)[None, :], (Bh, n_hashes * T))
    buckets_and_t = buckets * T + (ticker % T)
    sticker = jnp.argsort(buckets_and_t, axis=-1)
    undo_sort = jnp.argsort(sticker, axis=-1)
    st = sticker % T
    sqk = jnp.take_along_axis(qk, st[..., None], axis=1)
    sv = jnp.take_along_axis(v, st[..., None], axis=1)
    n_chunks = n_hashes * n_buckets
    bq_t = st.reshape(Bh, n_chunks, -1)
    bqk = sqk.reshape(Bh, n_chunks, -1, d)
    bv = sv.reshape(Bh, n_chunks, -1, d)
    bq = bqk
    bk = bqk / (jnp.linalg.norm(bqk, axis=-1, keepdims=True) + 1e-6)
    bk = _look_back(bk)
    bv = _look_back(bv)
    bkv_t = _look_back(bq_t)
    dots = jnp.einsum('bcie,bcje->bcij', bq, bk) / jnp.sqrt(float(d))
    self_mask = bq_t[..., :, None] == bkv_t[..., None, :]
    dots = jnp.where(self_mask, -1e5, dots)
    logits = jax.nn.logsumexp(dots, axis=-1, keepdims=True)
    probs = jnp.exp(dots - logits)
    bo = jnp.einsum('bcij,bcje->bcie', probs, bv)
    so = bo.reshape(Bh, n_hashes * T, d)
    slog = logits.reshape(Bh, n_hashes * T)
    o = jnp.take_along_axis(so, undo_sort[..., None], axis=1)
    lg = jnp.take_along_axis(slog, undo_sort, axis=1)
    o = o.reshape(Bh, n_hashes, T, d)
    lg = lg.reshape(Bh, n_hashes, T, 1)
    w = jnp.exp(lg - jax.nn.logsumexp(lg, axis=1, keepdims=True))
    return jnp.sum(o * w, axis=1)

def setup_inputs(seed: int = 0):
    key = jax.random.key(seed)
    k1, k2, k3, k4 = jax.random.split(key, 4)
    query = jax.random.normal(k1, (2, 4096, 16, 64), dtype=jnp.float32)
    keyt = jax.random.normal(k2, (2, 4096, 16, 64), dtype=jnp.float32)
    value = jax.random.normal(k3, (2, 1024, 16, 64), dtype=jnp.float32)
    rotations = jax.random.normal(k4, (4, 64, 4, 8), dtype=jnp.float32)
    return {"query": query, "key": keyt, "value": value, "rotations": rotations}

def reference(query, key, value, rotations):
    B, S, H, d = query.shape
    Tv = value.shape[1]
    v = value.transpose(0, 2, 1, 3).reshape(B * H, Tv, d)
    outs = []
    for i in range(4):
        q = query[:, 1024 * i:1024 * (i + 1)].transpose(0, 2, 1, 3).reshape(B * H, 1024, d)
        o = _lsh_attention(q, v, rotations[i], BUCKET_SIZE, N_HASHES)
        o = o.reshape(B, H, 1024, d).transpose(0, 2, 1, 3)
        outs.append(o)
    att = jnp.concatenate(outs, axis=1)  # (B, 4096, H, d)
    return jnp.swapaxes(att, 1, 2)  # (B, H, 4096, d) matching torch .transpose(1, 2)

if __name__ == "__main__":
    import jax
    _d = setup_inputs()
    print(jax.jit(kernel)(*tuple(_d.values())))

</pallas_src>

<mosaic_0001>
#map = affine_map<(d0, d1) -> (0, 0)>
module attributes {stable_mosaic.version = 14 : i64} {
  func.func @_sc_gather(%arg0: i32, %arg1: i32, %arg2: memref<524288x128xf32, #tpu.memory_space<hbm>>, %arg3: memref<128x4096xi32, #tpu.memory_space<hbm>>, %arg4: memref<524288x128xf32, #tpu.memory_space<hbm>>, %arg5: memref<128xi32, #tpu.memory_space<vmem>>, %arg6: memref<128x128xf32, #tpu.memory_space<vmem>>, %arg7: memref<!tpu.dma_semaphore, #tpu.memory_space<semaphore_mem>>) attributes {dimension_semantics = [#tpu.dimension_semantics<core_parallel>, #tpu.dimension_semantics<subcore_parallel>], iteration_bounds = array<i64: 2, 16>, scalar_prefetch = 0 : i64, scratch_operands = 3 : i64, tpu.core_type = #tpu.core_type<sc_vector_subcore>, window_params = [{transform_indices = #map}, {transform_indices = #map}, {transform_indices = #map}]} {
    %mul3A = arith.constant 2 : i32
    %mul3A_0 = arith.muli %arg1, %mul3A : i32
    %add3A = arith.addi %mul3A_0, %arg0 : i32
    %scan3A = arith.constant 0 : i32
    %scan3A_1 = arith.constant 0 : i32
    %scan3A_2 = arith.constant 128 : i32
    %scan3A_3 = arith.addi %scan3A_1, %scan3A_2 : i32
    %scan3A_4 = arith.constant 1 : i32
    scf.for %scan3A_6 = %scan3A_1 to %scan3A_3 step %scan3A_4  : i32 {
      %mul3A_7 = arith.constant 4 : i32
      %mul3A_8 = arith.muli %add3A, %mul3A_7 : i32
      %jit3A = arith.constant 32 : i32
      %div3A = arith.divsi %scan3A_6, %jit3A : i32
      %sign3A = arith.constant 0 : i32
      %sign3A_9 = arith.cmpi sgt, %scan3A_6, %sign3A : i32
      %sign3A_10 = arith.extui %sign3A_9 : i1 to i32
      %sign3A_11 = arith.constant 0 : i32
      %sign3A_12 = arith.cmpi slt, %scan3A_6, %sign3A_11 : i32
      %sign3A_13 = arith.extui %sign3A_12 : i1 to i32
      %sign3A_14 = arith.subi %sign3A_10, %sign3A_13 : i32
      %sign3A_15 = arith.constant 0 : i32
      %sign3A_16 = arith.cmpi sgt, %jit3A, %sign3A_15 : i32
      %sign3A_17 = arith.extui %sign3A_16 : i1 to i32
      %sign3A_18 = arith.constant 0 : i32
      %sign3A_19 = arith.cmpi slt, %jit3A, %sign3A_18 : i32
      %sign3A_20 = arith.extui %sign3A_19 : i1 to i32
      %sign3A_21 = arith.subi %sign3A_17, %sign3A_20 : i32
      %ne3A = arith.cmpi ne, %sign3A_14, %sign3A_21 : i32
      %rem3A = arith.remsi %scan3A_6, %jit3A : i32
      %ne3A_22 = arith.constant 0 : i32
      %ne3A_23 = arith.cmpi ne, %rem3A, %ne3A_22 : i32
      %and3A = arith.andi %ne3A, %ne3A_23 : i1
      %sub3A = arith.constant 1 : i32
      %sub3A_24 = arith.subi %div3A, %sub3A : i32
      %select_n3A = arith.select %and3A, %sub3A_24, %div3A : i32
      %add3A_25 = arith.addi %mul3A_8, %select_n3A : i32
      %rem3A_26 = arith.constant 32 : i32
      %rem3A_27 = arith.remsi %scan3A_6, %rem3A_26 : i32
      %mul3A_28 = arith.constant 128 : i32
      %mul3A_29 = arith.muli %rem3A_27, %mul3A_28 : i32
      "tpu.region"() ({
        %run_scoped3A = tpu.sem_alloc : memref<!tpu.dma_semaphore, #tpu.memory_space<semaphore_mem>>
        %dma_start3A_37 = tpu.memref_slice %arg3[%add3A_25, %mul3A_29] : memref<128x4096xi32, #tpu.memory_space<hbm>> -> memref<1x128xi32, #tpu.memory_space<hbm>>
        %dma_start3A_38 = tpu.memref_squeeze %dma_start3A_37 : memref<1x128xi32, #tpu.memory_space<hbm>> -> memref<128xi32, #tpu.memory_space<hbm>>
        %dma_start3A_39 = tpu.memref_slice %arg3[%add3A_25, %mul3A_29] : memref<128x4096xi32, #tpu.memory_space<hbm>> -> memref<1x128xi32, #tpu.memory_space<hbm>>
        %dma_start3A_40 = tpu.memref_squeeze %dma_start3A_39 : memref<1x128xi32, #tpu.memory_space<hbm>> -> memref<128xi32, #tpu.memory_space<hbm>>
        tpu.enqueue_dma source(%dma_start3A_40 : memref<128xi32, #tpu.memory_space<hbm>>) target(%arg5 : memref<128xi32, #tpu.memory_space<vmem>>) target_semaphore(%run_scoped3A : memref<!tpu.dma_semaphore, #tpu.memory_space<semaphore_mem>>)
        %dma_wait3A_41 = tpu.memref_slice %arg3[%add3A_25, %mul3A_29] : memref<128x4096xi32, #tpu.memory_space<hbm>> -> memref<1x128xi32, #tpu.memory_space<hbm>>
        %dma_wait3A_42 = tpu.memref_squeeze %dma_wait3A_41 : memref<1x128xi32, #tpu.memory_space<hbm>> -> memref<128xi32, #tpu.memory_space<hbm>>
        %dma_wait3A_43 = tpu.memref_slice %arg3[%add3A_25, %mul3A_29] : memref<128x4096xi32, #tpu.memory_space<hbm>> -> memref<1x128xi32, #tpu.memory_space<hbm>>
        %dma_wait3A_44 = tpu.memref_squeeze %dma_wait3A_43 : memref<1x128xi32, #tpu.memory_space<hbm>> -> memref<128xi32, #tpu.memory_space<hbm>>
        tpu.wait_dma2 semaphore(%run_scoped3A : memref<!tpu.dma_semaphore, #tpu.memory_space<semaphore_mem>>) src(%dma_wait3A_44 : memref<128xi32, #tpu.memory_space<hbm>>) dst(%arg5 : memref<128xi32, #tpu.memory_space<vmem>>)
        tpu.yield
      }) : () -> ()
      %dma_start3A = arith.constant 0 : i32
      %dma_start3A_30 = arith.constant 0 : i32
      %dma_start3A_31 = tpu.memref_slice %arg2[%dma_start3A, %dma_start3A_30] : memref<524288x128xf32, #tpu.memory_space<hbm>> -> memref<524288x128xf32, #tpu.memory_space<hbm>>
      tpu.enqueue_indirect_dma source(%dma_start3A_31 : memref<524288x128xf32, #tpu.memory_space<hbm>>) target(%arg6 : memref<128x128xf32, #tpu.memory_space<vmem>>) offsets(%arg5 : memref<128xi32, #tpu.memory_space<vmem>>) semaphore(%arg7 : memref<!tpu.dma_semaphore, #tpu.memory_space<semaphore_mem>>)
      %dma_wait3A = arith.constant 0 : i32
      %dma_wait3A_32 = arith.constant 0 : i32
      %dma_wait3A_33 = tpu.memref_slice %arg2[%dma_wait3A, %dma_wait3A_32] : memref<524288x128xf32, #tpu.memory_space<hbm>> -> memref<524288x128xf32, #tpu.memory_space<hbm>>
      tpu.wait_indirect_dma semaphore(%arg7 : memref<!tpu.dma_semaphore, #tpu.memory_space<semaphore_mem>>) src(%dma_wait3A_33 : memref<524288x128xf32, #tpu.memory_space<hbm>>) dst(%arg6 : memref<128x128xf32, #tpu.memory_space<vmem>>)
      %mul3A_34 = arith.constant 4096 : i32
      %mul3A_35 = arith.muli %add3A_25, %mul3A_34 : i32
      %add3A_36 = arith.addi %mul3A_35, %mul3A_29 : i32
      "tpu.region"() ({
        %run_scoped3A = tpu.sem_alloc : memref<!tpu.dma_semaphore, #tpu.memory_space<semaphore_mem>>
        %dma_start3A_37 = arith.constant 0 : i32
        %dma_start3A_38 = tpu.memref_slice %arg4[%add3A_36, %dma_start3A_37] : memref<524288x128xf32, #tpu.memory_space<hbm>> -> memref<128x128xf32, #tpu.memory_space<hbm>>
        %dma_start3A_39 = arith.constant 0 : i32
        %dma_start3A_40 = tpu.memref_slice %arg4[%add3A_36, %dma_start3A_39] : memref<524288x128xf32, #tpu.memory_space<hbm>> -> memref<128x128xf32, #tpu.memory_space<hbm>>
        tpu.enqueue_dma source(%arg6 : memref<128x128xf32, #tpu.memory_space<vmem>>) target(%dma_start3A_40 : memref<128x128xf32, #tpu.memory_space<hbm>>) target_semaphore(%run_scoped3A : memref<!tpu.dma_semaphore, #tpu.memory_space<semaphore_mem>>)
        %dma_wait3A_41 = arith.constant 0 : i32
        %dma_wait3A_42 = tpu.memref_slice %arg4[%add3A_36, %dma_wait3A_41] : memref<524288x128xf32, #tpu.memory_space<hbm>> -> memref<128x128xf32, #tpu.memory_space<hbm>>
        %dma_wait3A_43 = arith.constant 0 : i32
        %dma_wait3A_44 = tpu.memref_slice %arg4[%add3A_36, %dma_wait3A_43] : memref<524288x128xf32, #tpu.memory_space<hbm>> -> memref<128x128xf32, #tpu.memory_space<hbm>>
        tpu.wait_dma2 semaphore(%run_scoped3A : memref<!tpu.dma_semaphore, #tpu.memory_space<semaphore_mem>>) src(%arg6 : memref<128x128xf32, #tpu.memory_space<vmem>>) dst(%dma_wait3A_44 : memref<128x128xf32, #tpu.memory_space<hbm>>)
        tpu.yield
      }) : () -> ()
    }
    %scan3A_5 = arith.constant 128 : i32
    return
  }
}

#map = affine_map<(d0, d1) -> (0, 0)>
module attributes {stable_mosaic.version = 14 : i64} {
  func.func @_sc_scatter(%arg0: i32, %arg1: i32, %arg2: memref<131072x128xf32, #tpu.memory_space<hbm>>, %arg3: memref<128x4096xi32, #tpu.memory_space<hbm>>, %arg4: memref<524288x128xf32, #tpu.memory_space<hbm>>, %arg5: memref<128xi32, #tpu.memory_space<vmem>>, %arg6: memref<128x128xf32, #tpu.memory_space<vmem>>, %arg7: memref<!tpu.dma_semaphore, #tpu.memory_space<semaphore_mem>>) attributes {dimension_semantics = [#tpu.dimension_semantics<core_parallel>, #tpu.dimension_semantics<subcore_parallel>], iteration_bounds = array<i64: 2, 16>, scalar_prefetch = 0 : i64, scratch_operands = 3 : i64, tpu.core_type = #tpu.core_type<sc_vector_subcore>, window_params = [{transform_indices = #map}, {transform_indices = #map}, {transform_indices = #map}]} {
    %mul3A = arith.constant 2 : i32
    %mul3A_0 = arith.muli %arg1, %mul3A : i32
    %add3A = arith.addi %mul3A_0, %arg0 : i32
    %scan3A = arith.constant 0 : i32
    %scan3A_1 = arith.constant 0 : i32
    %scan3A_2 = arith.constant 128 : i32
    %scan3A_3 = arith.addi %scan3A_1, %scan3A_2 : i32
    %scan3A_4 = arith.constant 1 : i32
    scf.for %scan3A_6 = %scan3A_1 to %scan3A_3 step %scan3A_4  : i32 {
      %mul3A_7 = arith.constant 4 : i32
      %mul3A_8 = arith.muli %add3A, %mul3A_7 : i32
      %jit3A = arith.constant 32 : i32
      %div3A = arith.divsi %scan3A_6, %jit3A : i32
      %sign3A = arith.constant 0 : i32
      %sign3A_9 = arith.cmpi sgt, %scan3A_6, %sign3A : i32
      %sign3A_10 = arith.extui %sign3A_9 : i1 to i32
      %sign3A_11 = arith.constant 0 : i32
      %sign3A_12 = arith.cmpi slt, %scan3A_6, %sign3A_11 : i32
      %sign3A_13 = arith.extui %sign3A_12 : i1 to i32
      %sign3A_14 = arith.subi %sign3A_10, %sign3A_13 : i32
      %sign3A_15 = arith.constant 0 : i32
      %sign3A_16 = arith.cmpi sgt, %jit3A, %sign3A_15 : i32
      %sign3A_17 = arith.extui %sign3A_16 : i1 to i32
      %sign3A_18 = arith.constant 0 : i32
      %sign3A_19 = arith.cmpi slt, %jit3A, %sign3A_18 : i32
      %sign3A_20 = arith.extui %sign3A_19 : i1 to i32
      %sign3A_21 = arith.subi %sign3A_17, %sign3A_20 : i32
      %ne3A = arith.cmpi ne, %sign3A_14, %sign3A_21 : i32
      %rem3A = arith.remsi %scan3A_6, %jit3A : i32
      %ne3A_22 = arith.constant 0 : i32
      %ne3A_23 = arith.cmpi ne, %rem3A, %ne3A_22 : i32
      %and3A = arith.andi %ne3A, %ne3A_23 : i1
      %sub3A = arith.constant 1 : i32
      %sub3A_24 = arith.subi %div3A, %sub3A : i32
      %select_n3A = arith.select %and3A, %sub3A_24, %div3A : i32
      %add3A_25 = arith.addi %mul3A_8, %select_n3A : i32
      %rem3A_26 = arith.constant 32 : i32
      %rem3A_27 = arith.remsi %scan3A_6, %rem3A_26 : i32
      %mul3A_28 = arith.constant 128 : i32
      %mul3A_29 = arith.muli %rem3A_27, %mul3A_28 : i32
      %rem3A_30 = arith.constant 1024 : i32
      %rem3A_31 = arith.remsi %mul3A_29, %rem3A_30 : i32
      "tpu.region"() ({
        %run_scoped3A = tpu.sem_alloc : memref<!tpu.dma_semaphore, #tpu.memory_space<semaphore_mem>>
        %dma_start3A_39 = tpu.memref_slice %arg3[%add3A_25, %mul3A_29] : memref<128x4096xi32, #tpu.memory_space<hbm>> -> memref<1x128xi32, #tpu.memory_space<hbm>>
        %dma_start3A_40 = tpu.memref_squeeze %dma_start3A_39 : memref<1x128xi32, #tpu.memory_space<hbm>> -> memref<128xi32, #tpu.memory_space<hbm>>
        %dma_start3A_41 = tpu.memref_slice %arg3[%add3A_25, %mul3A_29] : memref<128x4096xi32, #tpu.memory_space<hbm>> -> memref<1x128xi32, #tpu.memory_space<hbm>>
        %dma_start3A_42 = tpu.memref_squeeze %dma_start3A_41 : memref<1x128xi32, #tpu.memory_space<hbm>> -> memref<128xi32, #tpu.memory_space<hbm>>
        tpu.enqueue_dma source(%dma_start3A_42 : memref<128xi32, #tpu.memory_space<hbm>>) target(%arg5 : memref<128xi32, #tpu.memory_space<vmem>>) target_semaphore(%run_scoped3A : memref<!tpu.dma_semaphore, #tpu.memory_space<semaphore_mem>>)
        %dma_wait3A_43 = tpu.memref_slice %arg3[%add3A_25, %mul3A_29] : memref<128x4096xi32, #tpu.memory_space<hbm>> -> memref<1x128xi32, #tpu.memory_space<hbm>>
        %dma_wait3A_44 = tpu.memref_squeeze %dma_wait3A_43 : memref<1x128xi32, #tpu.memory_space<hbm>> -> memref<128xi32, #tpu.memory_space<hbm>>
        %dma_wait3A_45 = tpu.memref_slice %arg3[%add3A_25, %mul3A_29] : memref<128x4096xi32, #tpu.memory_space<hbm>> -> memref<1x128xi32, #tpu.memory_space<hbm>>
        %dma_wait3A_46 = tpu.memref_squeeze %dma_wait3A_45 : memref<1x128xi32, #tpu.memory_space<hbm>> -> memref<128xi32, #tpu.memory_space<hbm>>
        tpu.wait_dma2 semaphore(%run_scoped3A : memref<!tpu.dma_semaphore, #tpu.memory_space<semaphore_mem>>) src(%dma_wait3A_46 : memref<128xi32, #tpu.memory_space<hbm>>) dst(%arg5 : memref<128xi32, #tpu.memory_space<vmem>>)
        tpu.yield
      }) : () -> ()
      %mul3A_32 = arith.constant 1024 : i32
      %mul3A_33 = arith.muli %add3A_25, %mul3A_32 : i32
      %add3A_34 = arith.addi %mul3A_33, %rem3A_31 : i32
      "tpu.region"() ({
        %run_scoped3A = tpu.sem_alloc : memref<!tpu.dma_semaphore, #tpu.memory_space<semaphore_mem>>
        %dma_start3A_39 = arith.constant 0 : i32
        %dma_start3A_40 = tpu.memref_slice %arg2[%add3A_34, %dma_start3A_39] : memref<131072x128xf32, #tpu.memory_space<hbm>> -> memref<128x128xf32, #tpu.memory_space<hbm>>
        %dma_start3A_41 = arith.constant 0 : i32
        %dma_start3A_42 = tpu.memref_slice %arg2[%add3A_34, %dma_start3A_41] : memref<131072x128xf32, #tpu.memory_space<hbm>> -> memref<128x128xf32, #tpu.memory_space<hbm>>
        tpu.enqueue_dma source(%dma_start3A_42 : memref<128x128xf32, #tpu.memory_space<hbm>>) target(%arg6 : memref<128x128xf32, #tpu.memory_space<vmem>>) target_semaphore(%run_scoped3A : memref<!tpu.dma_semaphore, #tpu.memory_space<semaphore_mem>>)
        %dma_wait3A_43 = arith.constant 0 : i32
        %dma_wait3A_44 = tpu.memref_slice %arg2[%add3A_34, %dma_wait3A_43] : memref<131072x128xf32, #tpu.memory_space<hbm>> -> memref<128x128xf32, #tpu.memory_space<hbm>>
        %dma_wait3A_45 = arith.constant 0 : i32
        %dma_wait3A_46 = tpu.memref_slice %arg2[%add3A_34, %dma_wait3A_45] : memref<131072x128xf32, #tpu.memory_space<hbm>> -> memref<128x128xf32, #tpu.memory_space<hbm>>
        tpu.wait_dma2 semaphore(%run_scoped3A : memref<!tpu.dma_semaphore, #tpu.memory_space<semaphore_mem>>) src(%dma_wait3A_46 : memref<128x128xf32, #tpu.memory_space<hbm>>) dst(%arg6 : memref<128x128xf32, #tpu.memory_space<vmem>>)
        tpu.yield
      }) : () -> ()
      %dma_start3A = arith.constant 0 : i32
      %dma_start3A_35 = arith.constant 0 : i32
      %dma_start3A_36 = tpu.memref_slice %arg4[%dma_start3A, %dma_start3A_35] : memref<524288x128xf32, #tpu.memory_space<hbm>> -> memref<524288x128xf32, #tpu.memory_space<hbm>>
      tpu.enqueue_indirect_dma source(%arg6 : memref<128x128xf32, #tpu.memory_space<vmem>>) target(%dma_start3A_36 : memref<524288x128xf32, #tpu.memory_space<hbm>>) offsets(%arg5 : memref<128xi32, #tpu.memory_space<vmem>>) semaphore(%arg7 : memref<!tpu.dma_semaphore, #tpu.memory_space<semaphore_mem>>)
      %dma_wait3A = arith.constant 0 : i32
      %dma_wait3A_37 = arith.constant 0 : i32
      %dma_wait3A_38 = tpu.memref_slice %arg4[%dma_wait3A, %dma_wait3A_37] : memref<524288x128xf32, #tpu.memory_space<hbm>> -> memref<524288x128xf32, #tpu.memory_space<hbm>>
      tpu.wait_indirect_dma semaphore(%arg7 : memref<!tpu.dma_semaphore, #tpu.memory_space<semaphore_mem>>) src(%arg6 : memref<128x128xf32, #tpu.memory_space<vmem>>) dst(%dma_wait3A_38 : memref<524288x128xf32, #tpu.memory_space<hbm>>)
    }
    %scan3A_5 = arith.constant 128 : i32
    return
  }
}

module attributes {stable_mosaic.version = 14 : i64} {
  func.func @_stage_a_body(%arg0: i32, %arg1: memref<1x1024x64xf32, #tpu.memory_space<vmem>>, %arg2: memref<1x1024x64xf32, #tpu.memory_space<vmem>>, %arg3: memref<1x64x32xf32, #tpu.memory_space<vmem>>, %arg4: memref<1024x1024xbf16, #tpu.memory_space<vmem>>, %arg5: memref<1x4096x1xi32, #tpu.memory_space<vmem>>, %arg6: memref<1x1024x128xf32, #tpu.memory_space<vmem>>) attributes {dimension_semantics = [#tpu.dimension_semantics<arbitrary>], iteration_bounds = array<i64: 128>, scalar_prefetch = 0 : i64, scratch_operands = 0 : i64, tpu.core_type = #tpu.core_type<tc>, window_params = [{transform_indices = @transform_0, window_bounds = array<i64: 1, 1024, 64>}, {transform_indices = @transform_1, window_bounds = array<i64: 1, 1024, 64>}, {transform_indices = @transform_2, window_bounds = array<i64: 1, 64, 32>}, {pipeline_mode = #tpu.pipeline_mode<synchronous>, transform_indices = @transform_3, window_bounds = array<i64: 1024, 1024>}, {transform_indices = @transform_4, window_bounds = array<i64: 1, 4096, 1>}, {transform_indices = @transform_5, window_bounds = array<i64: 1, 1024, 128>}]} {
    %get3A = arith.constant 0 : index
    %get3A_0 = arith.constant 0 : index
    %get3A_1 = arith.constant 0 : index
    %get3A_2 = vector.load %arg1[%get3A, %get3A_0, %get3A_1] : memref<1x1024x64xf32, #tpu.memory_space<vmem>>, vector<1x1024x64xf32>
    %get3A_3 = vector.shape_cast %get3A_2 : vector<1x1024x64xf32> to vector<1024x64xf32>
    %get3A_4 = arith.constant 0 : index
    %get3A_5 = arith.constant 0 : index
    %get3A_6 = arith.constant 0 : index
    %get3A_7 = vector.load %arg3[%get3A_4, %get3A_5, %get3A_6] : memref<1x64x32xf32, #tpu.memory_space<vmem>>, vector<1x64x32xf32>
    %get3A_8 = vector.shape_cast %get3A_7 : vector<1x64x32xf32> to vector<64x32xf32>
    %dot_general3A = arith.constant dense<0.000000e+00> : vector<1024x32xf32>
    %dot_general3A_9 = tpu.matmul %get3A_3, %get3A_8, %dot_general3A {dimension_numbers = #tpu.dot_dimension_numbers<[1], [0], [0], [1], [0, 0, 1, 1], [], []>, transpose_lhs_hint = false} : vector<1024x64xf32>, vector<64x32xf32>, vector<1024x32xf32> -> vector<1024x32xf32>
    %iota3A = tpu.iota {dimensions = array<i32: 1>} : vector<1024x16xi32>
    %slice3A = vector.extract_strided_slice %dot_general3A_9 {offsets = [0, 0], sizes = [1024, 8], strides = [1, 1]} : vector<1024x32xf32> to vector<1024x8xf32>
    %neg3A = arith.constant 0.000000e+00 : f32
    %neg3A_10 = vector.broadcast %neg3A : f32 to vector<1024x8xf32>
    %neg3A_11 = arith.subf %neg3A_10, %slice3A : vector<1024x8xf32>
    %concatenate3A = tpu.concatenate %slice3A, %neg3A_11 in 1 : vector<1024x8xf32>, vector<1024x8xf32> -> vector<1024x16xf32>
    %reduce_max3A = arith.constant dense<0xFF800000> : vector<1024xf32>
    %reduce_max3A_12 = vector.multi_reduction <maximumf>, %concatenate3A, %reduce_max3A [1] : vector<1024x16xf32> to vector<1024xf32>
    %broadcast_in_dim3A = vector.shape_cast %reduce_max3A_12 : vector<1024xf32> to vector<1024x1xf32>
    %eq3A = vector.broadcast %broadcast_in_dim3A : vector<1024x1xf32> to vector<1024x16xf32>
    %eq3A_13 = arith.cmpf oeq, %concatenate3A, %eq3A : vector<1024x16xf32>
    %jit3A = arith.constant 16 : i32
    %broadcast_in_dim3A_14 = vector.broadcast %jit3A : i32 to vector<1024x16xi32>
    %select_n3A = arith.select %eq3A_13, %iota3A, %broadcast_in_dim3A_14 : vector<1024x16xi1>, vector<1024x16xi32>
    %reduce_min3A = arith.constant dense<2147483647> : vector<1024xi32>
    %reduce_min3A_15 = vector.multi_reduction <minsi>, %select_n3A, %reduce_min3A [1] : vector<1024x16xi32> to vector<1024xi32>
    %broadcast_in_dim3A_16 = vector.shape_cast %reduce_min3A_15 : vector<1024xi32> to vector<1024x1xi32>
    %eq3A_17 = vector.broadcast %broadcast_in_dim3A_16 : vector<1024x1xi32> to vector<1024x16xi32>
    %eq3A_18 = arith.cmpi eq, %eq3A_17, %iota3A : vector<1024x16xi32>
    %convert_element_type3A = arith.extui %eq3A_18 : vector<1024x16xi1> to vector<1024x16xi32>
    %convert_element_type3A_19 = arith.sitofp %convert_element_type3A : vector<1024x16xi32> to vector<1024x16xf32>
    %slice3A_20 = vector.extract_strided_slice %dot_general3A_9 {offsets = [0, 8], sizes = [1024, 8], strides = [1, 1]} : vector<1024x32xf32> to vector<1024x8xf32>
    %neg3A_21 = arith.constant 0.000000e+00 : f32
    %neg3A_22 = vector.broadcast %neg3A_21 : f32 to vector<1024x8xf32>
    %neg3A_23 = arith.subf %neg3A_22, %slice3A_20 : vector<1024x8xf32>
    %concatenate3A_24 = tpu.concatenate %slice3A_20, %neg3A_23 in 1 : vector<1024x8xf32>, vector<1024x8xf32> -> vector<1024x16xf32>
    %reduce_max3A_25 = arith.constant dense<0xFF800000> : vector<1024xf32>
    %reduce_max3A_26 = vector.multi_reduction <maximumf>, %concatenate3A_24, %reduce_max3A_25 [1] : vector<1024x16xf32> to vector<1024xf32>
    %broadcast_in_dim3A_27 = vector.shape_cast %reduce_max3A_26 : vector<1024xf32> to vector<1024x1xf32>
    %eq3A_28 = vector.broadcast %broadcast_in_dim3A_27 : vector<1024x1xf32> to vector<1024x16xf32>
    %eq3A_29 = arith.cmpf oeq, %concatenate3A_24, %eq3A_28 : vector<1024x16xf32>
    %jit3A_30 = arith.constant 16 : i32
    %broadcast_in_dim3A_31 = vector.broadcast %jit3A_30 : i32 to vector<1024x16xi32>
    %select_n3A_32 = arith.select %eq3A_29, %iota3A, %broadcast_in_dim3A_31 : vector<1024x16xi1>, vector<1024x16xi32>
    %reduce_min3A_33 = arith.constant dense<2147483647> : vector<1024xi32>
    %reduce_min3A_34 = vector.multi_reduction <minsi>, %select_n3A_32, %reduce_min3A_33 [1] : vector<1024x16xi32> to vector<1024xi32>
    %broadcast_in_dim3A_35 = vector.shape_cast %reduce_min3A_34 : vector<1024xi32> to vector<1024x1xi32>
    %eq3A_36 = vector.broadcast %broadcast_in_dim3A_35 : vector<1024x1xi32> to vector<1024x16xi32>
    %eq3A_37 = arith.cmpi eq, %eq3A_36, %iota3A : vector<1024x16xi32>
    %convert_element_type3A_38 = arith.extui %eq3A_37 : vector<1024x16xi1> to vector<1024x16xi32>
    %convert_element_type3A_39 = arith.sitofp %convert_element_type3A_38 : vector<1024x16xi32> to vector<1024x16xf32>
    %slice3A_40 = vector.extract_strided_slice %dot_general3A_9 {offsets = [0, 16], sizes = [1024, 8], strides = [1, 1]} : vector<1024x32xf32> to vector<1024x8xf32>
    %neg3A_41 = arith.constant 0.000000e+00 : f32
    %neg3A_42 = vector.broadcast %neg3A_41 : f32 to vector<1024x8xf32>
    %neg3A_43 = arith.subf %neg3A_42, %slice3A_40 : vector<1024x8xf32>
    %concatenate3A_44 = tpu.concatenate %slice3A_40, %neg3A_43 in 1 : vector<1024x8xf32>, vector<1024x8xf32> -> vector<1024x16xf32>
    %reduce_max3A_45 = arith.constant dense<0xFF800000> : vector<1024xf32>
    %reduce_max3A_46 = vector.multi_reduction <maximumf>, %concatenate3A_44, %reduce_max3A_45 [1] : vector<1024x16xf32> to vector<1024xf32>
    %broadcast_in_dim3A_47 = vector.shape_cast %reduce_max3A_46 : vector<1024xf32> to vector<1024x1xf32>
    %eq3A_48 = vector.broadcast %broadcast_in_dim3A_47 : vector<1024x1xf32> to vector<1024x16xf32>
    %eq3A_49 = arith.cmpf oeq, %concatenate3A_44, %eq3A_48 : vector<1024x16xf32>
    %jit3A_50 = arith.constant 16 : i32
    %broadcast_in_dim3A_51 = vector.broadcast %jit3A_50 : i32 to vector<1024x16xi32>
    %select_n3A_52 = arith.select %eq3A_49, %iota3A, %broadcast_in_dim3A_51 : vector<1024x16xi1>, vector<1024x16xi32>
    %reduce_min3A_53 = arith.constant dense<2147483647> : vector<1024xi32>
    %reduce_min3A_54 = vector.multi_reduction <minsi>, %select_n3A_52, %reduce_min3A_53 [1] : vector<1024x16xi32> to vector<1024xi32>
    %broadcast_in_dim3A_55 = vector.shape_cast %reduce_min3A_54 : vector<1024xi32> to vector<1024x1xi32>
    %eq3A_56 = vector.broadcast %broadcast_in_dim3A_55 : vector<1024x1xi32> to vector<1024x16xi32>
    %eq3A_57 = arith.cmpi eq, %eq3A_56, %iota3A : vector<1024x16xi32>
    %convert_element_type3A_58 = arith.extui %eq3A_57 : vector<1024x16xi1> to vector<1024x16xi32>
    %convert_element_type3A_59 = arith.sitofp %convert_element_type3A_58 : vector<1024x16xi32> to vector<1024x16xf32>
    %slice3A_60 = vector.extract_strided_slice %dot_general3A_9 {offsets = [0, 24], sizes = [1024, 8], strides = [1, 1]} : vector<1024x32xf32> to vector<1024x8xf32>
    %neg3A_61 = arith.constant 0.000000e+00 : f32
    %neg3A_62 = vector.broadcast %neg3A_61 : f32 to vector<1024x8xf32>
    %neg3A_63 = arith.subf %neg3A_62, %slice3A_60 : vector<1024x8xf32>
    %concatenate3A_64 = tpu.concatenate %slice3A_60, %neg3A_63 in 1 : vector<1024x8xf32>, vector<1024x8xf32> -> vector<1024x16xf32>
    %reduce_max3A_65 = arith.constant dense<0xFF800000> : vector<1024xf32>
    %reduce_max3A_66 = vector.multi_reduction <maximumf>, %concatenate3A_64, %reduce_max3A_65 [1] : vector<1024x16xf32> to vector<1024xf32>
    %broadcast_in_dim3A_67 = vector.shape_cast %reduce_max3A_66 : vector<1024xf32> to vector<1024x1xf32>
    %eq3A_68 = vector.broadcast %broadcast_in_dim3A_67 : vector<1024x1xf32> to vector<1024x16xf32>
    %eq3A_69 = arith.cmpf oeq, %concatenate3A_64, %eq3A_68 : vector<1024x16xf32>
    %jit3A_70 = arith.constant 16 : i32
    %broadcast_in_dim3A_71 = vector.broadcast %jit3A_70 : i32 to vector<1024x16xi32>
    %select_n3A_72 = arith.select %eq3A_69, %iota3A, %broadcast_in_dim3A_71 : vector<1024x16xi1>, vector<1024x16xi32>
    %reduce_min3A_73 = arith.constant dense<2147483647> : vector<1024xi32>
    %reduce_min3A_74 = vector.multi_reduction <minsi>, %select_n3A_72, %reduce_min3A_73 [1] : vector<1024x16xi32> to vector<1024xi32>
    %broadcast_in_dim3A_75 = vector.shape_cast %reduce_min3A_74 : vector<1024xi32> to vector<1024x1xi32>
    %eq3A_76 = vector.broadcast %broadcast_in_dim3A_75 : vector<1024x1xi32> to vector<1024x16xi32>
    %eq3A_77 = arith.cmpi eq, %eq3A_76, %iota3A : vector<1024x16xi32>
    %convert_element_type3A_78 = arith.extui %eq3A_77 : vector<1024x16xi1> to vector<1024x16xi32>
    %convert_element_type3A_79 = arith.sitofp %convert_element_type3A_78 : vector<1024x16xi32> to vector<1024x16xf32>
    %concatenate3A_80 = tpu.concatenate %convert_element_type3A_19, %convert_element_type3A_39, %convert_element_type3A_59, %convert_element_type3A_79 in 1 : vector<1024x16xf32>, vector<1024x16xf32>, vector<1024x16xf32>, vector<1024x16xf32> -> vector<1024x64xf32>
    %get3A_81 = arith.constant 0 : index
    %get3A_82 = arith.constant 0 : index
    %get3A_83 = vector.load %arg4[%get3A_81, %get3A_82] : memref<1024x1024xbf16, #tpu.memory_space<vmem>>, vector<1024x1024xbf16>
    %convert_element_type3A_84 = arith.truncf %concatenate3A_80 : vector<1024x64xf32> to vector<1024x64xbf16>
    %dot_general3A_85 = arith.constant dense<0.000000e+00> : vector<1024x64xf32>
    %dot_general3A_86 = tpu.matmul %get3A_83, %convert_element_type3A_84, %dot_general3A_85 {dimension_numbers = #tpu.dot_dimension_numbers<[1], [0], [0], [1], [0, 0, 1, 1], [], []>, transpose_lhs_hint = false} : vector<1024x1024xbf16>, vector<1024x64xbf16>, vector<1024x64xf32> -> vector<1024x64xf32>
    %reduce_sum3A = arith.constant dense<0.000000e+00> : vector<64xf32>
    %reduce_sum3A_87 = vector.multi_reduction <add>, %concatenate3A_80, %reduce_sum3A [0] : vector<1024x64xf32> to vector<64xf32>
    %broadcast_in_dim3A_88 = vector.shape_cast %reduce_sum3A_87 : vector<64xf32> to vector<1x64xf32>
    %iota3A_89 = tpu.iota {dimensions = array<i32: 0>} : vector<64x64xi32>
    %iota3A_90 = tpu.iota {dimensions = array<i32: 1>} : vector<64x64xi32>
    %lt3A = arith.cmpi slt, %iota3A_89, %iota3A_90 : vector<64x64xi32>
    %convert_element_type3A_91 = arith.extui %lt3A : vector<64x64xi1> to vector<64x64xi32>
    %convert_element_type3A_92 = arith.sitofp %convert_element_type3A_91 : vector<64x64xi32> to vector<64x64xf32>
    %dot_general3A_93 = arith.constant dense<0.000000e+00> : vector<1x64xf32>
    %dot_general3A_94 = tpu.matmul %broadcast_in_dim3A_88, %convert_element_type3A_92, %dot_general3A_93 {dimension_numbers = #tpu.dot_dimension_numbers<[1], [0], [0], [1], [0, 0, 1, 1], [], []>, precision = #tpu.contract_precision<fp32>, transpose_lhs_hint = false} : vector<1x64xf32>, vector<64x64xf32>, vector<1x64xf32> -> vector<1x64xf32>
    %add3A = vector.broadcast %dot_general3A_94 : vector<1x64xf32> to vector<1024x64xf32>
    %add3A_95 = arith.addf %dot_general3A_86, %add3A : vector<1024x64xf32>
    %mul3A = arith.constant 4096 : i32
    %mul3A_96 = arith.muli %arg0, %mul3A : i32
    %slice3A_97 = vector.extract_strided_slice %add3A_95 {offsets = [0, 0], sizes = [1024, 16], strides = [1, 1]} : vector<1024x64xf32> to vector<1024x16xf32>
    %mul3A_98 = arith.mulf %convert_element_type3A_19, %slice3A_97 : vector<1024x16xf32>
    %reduce_sum3A_99 = arith.constant dense<0.000000e+00> : vector<1024xf32>
    %reduce_sum3A_100 = vector.multi_reduction <add>, %mul3A_98, %reduce_sum3A_99 [1] : vector<1024x16xf32> to vector<1024xf32>
    %broadcast_in_dim3A_101 = vector.shape_cast %reduce_sum3A_100 : vector<1024xf32> to vector<1024x1xf32>
    %convert_element_type3A_102 = arith.fptosi %broadcast_in_dim3A_101 : vector<1024x1xf32> to vector<1024x1xi32>
    %add3A_103 = vector.broadcast %mul3A_96 : i32 to vector<1024x1xi32>
    %add3A_104 = arith.addi %convert_element_type3A_102, %add3A_103 : vector<1024x1xi32>
    %swap3A = arith.constant 0 : index
    %swap3A_105 = arith.constant 0 : index
    %swap3A_106 = arith.constant 0 : index
    %swap3A_107 = vector.load %arg5[%swap3A, %swap3A_105, %swap3A_106] : memref<1x4096x1xi32, #tpu.memory_space<vmem>>, vector<1x1024x1xi32>
    %swap3A_108 = vector.shape_cast %swap3A_107 : vector<1x1024x1xi32> to vector<1024x1xi32>
    %swap3A_109 = vector.shape_cast %add3A_104 : vector<1024x1xi32> to vector<1x1024x1xi32>
    tpu.vector_store %arg5[%swap3A, %swap3A_105, %swap3A_106], %swap3A_109 {strides = array<i32>} : memref<1x4096x1xi32, #tpu.memory_space<vmem>>, vector<1x1024x1xi32>,
    %slice3A_110 = vector.extract_strided_slice %add3A_95 {offsets = [0, 16], sizes = [1024, 16], strides = [1, 1]} : vector<1024x64xf32> to vector<1024x16xf32>
    %mul3A_111 = arith.mulf %convert_element_type3A_39, %slice3A_110 : vector<1024x16xf32>
    %reduce_sum3A_112 = arith.constant dense<0.000000e+00> : vector<1024xf32>
    %reduce_sum3A_113 = vector.multi_reduction <add>, %mul3A_111, %reduce_sum3A_112 [1] : vector<1024x16xf32> to vector<1024xf32>
    %broadcast_in_dim3A_114 = vector.shape_cast %reduce_sum3A_113 : vector<1024xf32> to vector<1024x1xf32>
    %convert_element_type3A_115 = arith.fptosi %broadcast_in_dim3A_114 : vector<1024x1xf32> to vector<1024x1xi32>
    %add3A_116 = vector.broadcast %mul3A_96 : i32 to vector<1024x1xi32>
    %add3A_117 = arith.addi %convert_element_type3A_115, %add3A_116 : vector<1024x1xi32>
    %swap3A_118 = arith.constant 0 : index
    %swap3A_119 = arith.constant 1024 : index
    %swap3A_120 = arith.constant 0 : index
    %swap3A_121 = vector.load %arg5[%swap3A_118, %swap3A_119, %swap3A_120] : memref<1x4096x1xi32, #tpu.memory_space<vmem>>, vector<1x1024x1xi32>
    %swap3A_122 = vector.shape_cast %swap3A_121 : vector<1x1024x1xi32> to vector<1024x1xi32>
    %swap3A_123 = vector.shape_cast %add3A_117 : vector<1024x1xi32> to vector<1x1024x1xi32>
    tpu.vector_store %arg5[%swap3A_118, %swap3A_119, %swap3A_120], %swap3A_123 {strides = array<i32>} : memref<1x4096x1xi32, #tpu.memory_space<vmem>>, vector<1x1024x1xi32>,
    %slice3A_124 = vector.extract_strided_slice %add3A_95 {offsets = [0, 32], sizes = [1024, 16], strides = [1, 1]} : vector<1024x64xf32> to vector<1024x16xf32>
    %mul3A_125 = arith.mulf %convert_element_type3A_59, %slice3A_124 : vector<1024x16xf32>
    %reduce_sum3A_126 = arith.constant dense<0.000000e+00> : vector<1024xf32>
    %reduce_sum3A_127 = vector.multi_reduction <add>, %mul3A_125, %reduce_sum3A_126 [1] : vector<1024x16xf32> to vector<1024xf32>
    %broadcast_in_dim3A_128 = vector.shape_cast %reduce_sum3A_127 : vector<1024xf32> to vector<1024x1xf32>
    %convert_element_type3A_129 = arith.fptosi %broadcast_in_dim3A_128 : vector<1024x1xf32> to vector<1024x1xi32>
    %add3A_130 = vector.broadcast %mul3A_96 : i32 to vector<1024x1xi32>
    %add3A_131 = arith.addi %convert_element_type3A_129, %add3A_130 : vector<1024x1xi32>
    %swap3A_132 = arith.constant 0 : index
    %swap3A_133 = arith.constant 2048 : index
    %swap3A_134 = arith.constant 0 : index
    %swap3A_135 = vector.load %arg5[%swap3A_132, %swap3A_133, %swap3A_134] : memref<1x4096x1xi32, #tpu.memory_space<vmem>>, vector<1x1024x1xi32>
    %swap3A_136 = vector.shape_cast %swap3A_135 : vector<1x1024x1xi32> to vector<1024x1xi32>
    %swap3A_137 = vector.shape_cast %add3A_131 : vector<1024x1xi32> to vector<1x1024x1xi32>
    tpu.vector_store %arg5[%swap3A_132, %swap3A_133, %swap3A_134], %swap3A_137 {strides = array<i32>} : memref<1x4096x1xi32, #tpu.memory_space<vmem>>, vector<1x1024x1xi32>,
    %slice3A_138 = vector.extract_strided_slice %add3A_95 {offsets = [0, 48], sizes = [1024, 16], strides = [1, 1]} : vector<1024x64xf32> to vector<1024x16xf32>
    %mul3A_139 = arith.mulf %convert_element_type3A_79, %slice3A_138 : vector<1024x16xf32>
    %reduce_sum3A_140 = arith.constant dense<0.000000e+00> : vector<1024xf32>
    %reduce_sum3A_141 = vector.multi_reduction <add>, %mul3A_139, %reduce_sum3A_140 [1] : vector<1024x16xf32> to vector<1024xf32>
    %broadcast_in_dim3A_142 = vector.shape_cast %reduce_sum3A_141 : vector<1024xf32> to vector<1024x1xf32>
    %convert_element_type3A_143 = arith.fptosi %broadcast_in_dim3A_142 : vector<1024x1xf32> to vector<1024x1xi32>
    %add3A_144 = vector.broadcast %mul3A_96 : i32 to vector<1024x1xi32>
    %add3A_145 = arith.addi %convert_element_type3A_143, %add3A_144 : vector<1024x1xi32>
    %swap3A_146 = arith.constant 0 : index
    %swap3A_147 = arith.constant 3072 : index
    %swap3A_148 = arith.constant 0 : index
    %swap3A_149 = vector.load %arg5[%swap3A_146, %swap3A_147, %swap3A_148] : memref<1x4096x1xi32, #tpu.memory_space<vmem>>, vector<1x1024x1xi32>
    %swap3A_150 = vector.shape_cast %swap3A_149 : vector<1x1024x1xi32> to vector<1024x1xi32>
    %swap3A_151 = vector.shape_cast %add3A_145 : vector<1024x1xi32> to vector<1x1024x1xi32>
    tpu.vector_store %arg5[%swap3A_146, %swap3A_147, %swap3A_148], %swap3A_151 {strides = array<i32>} : memref<1x4096x1xi32, #tpu.memory_space<vmem>>, vector<1x1024x1xi32>,
    %get3A_152 = arith.constant 0 : index
    %get3A_153 = arith.constant 0 : index
    %get3A_154 = arith.constant 0 : index
    %get3A_155 = vector.load %arg2[%get3A_152, %get3A_153, %get3A_154] : memref<1x1024x64xf32, #tpu.memory_space<vmem>>, vector<1x1024x64xf32>
    %get3A_156 = vector.shape_cast %get3A_155 : vector<1x1024x64xf32> to vector<1024x64xf32>
    %iota3A_157 = tpu.iota {dimensions = array<i32: 0>} : vector<1024x1xi32>
    %slice3A_158 = vector.extract_strided_slice %get3A_156 {offsets = [0, 0], sizes = [1024, 1], strides = [1, 1]} : vector<1024x64xf32> to vector<1024x1xf32>
    %bitcast_convert_type3A = tpu.bitcast %slice3A_158 : vector<1024x1xf32> -> vector<1024x1xi32>
    %and3A = arith.constant -1024 : i32
    %and3A_159 = vector.broadcast %and3A : i32 to vector<1024x1xi32>
    %and3A_160 = arith.andi %bitcast_convert_type3A, %and3A_159 : vector<1024x1xi32>
    %or3A = arith.ori %and3A_160, %iota3A_157 : vector<1024x1xi32>
    %bitcast_convert_type3A_161 = tpu.bitcast %or3A : vector<1024x1xi32> -> vector<1024x1xf32>
    %slice3A_162 = vector.extract_strided_slice %get3A_156 {offsets = [0, 1], sizes = [1024, 63], strides = [1, 1]} : vector<1024x64xf32> to vector<1024x63xf32>
    %concatenate3A_163 = tpu.concatenate %get3A_3, %bitcast_convert_type3A_161, %slice3A_162 in 1 : vector<1024x64xf32>, vector<1024x1xf32>, vector<1024x63xf32> -> vector<1024x128xf32>
    %swap3A_164 = arith.constant 0 : index
    %swap3A_165 = arith.constant 0 : index
    %swap3A_166 = arith.constant 0 : index
    %swap3A_167 = vector.load %arg6[%swap3A_164, %swap3A_165, %swap3A_166] : memref<1x1024x128xf32, #tpu.memory_space<vmem>>, vector<1x1024x128xf32>
    %swap3A_168 = vector.shape_cast %swap3A_167 : vector<1x1024x128xf32> to vector<1024x128xf32>
    %swap3A_169 = vector.shape_cast %concatenate3A_163 : vector<1024x128xf32> to vector<1x1024x128xf32>
    tpu.vector_store %arg6[%swap3A_164, %swap3A_165, %swap3A_166], %swap3A_169 {strides = array<i32>} : memref<1x1024x128xf32, #tpu.memory_space<vmem>>, vector<1x1024x128xf32>,
    return
  }
  func.func @transform_0(%arg0: i32) -> (i32, i32, i32) {
    %c0_i32 = arith.constant 0 : i32
    %c0_i32_0 = arith.constant 0 : i32
    %c0_i32_1 = arith.constant 0 : i32
    return %arg0, %c0_i32, %c0_i32_0 : i32, i32, i32
  }
  func.func @transform_1(%arg0: i32) -> (i32, i32, i32) {
    %jit3A = arith.constant 32 : i32
    %eq3A = arith.constant 0 : i32
    %eq3A_0 = arith.cmpi eq, %jit3A, %eq3A : i32
    %jit3A_1 = arith.constant 1 : i32
    %select_n3A = arith.select %eq3A_0, %jit3A_1, %jit3A : i32
    %rem3A = arith.remsi %arg0, %select_n3A : i32
    %ne3A = arith.constant 0 : i32
    %ne3A_2 = arith.cmpi ne, %rem3A, %ne3A : i32
    %lt3A = arith.constant 0 : i32
    %lt3A_3 = arith.cmpi slt, %rem3A, %lt3A : i32
    %lt3A_4 = arith.constant 0 : i32
    %lt3A_5 = arith.cmpi slt, %select_n3A, %lt3A_4 : i32
    %ne3A_6 = arith.xori %lt3A_3, %lt3A_5 : i1
    %and3A = arith.andi %ne3A_6, %ne3A_2 : i1
    %add3A = arith.addi %rem3A, %select_n3A : i32
    %select_n3A_7 = arith.select %and3A, %add3A, %rem3A : i32
    %c0_i32 = arith.constant 0 : i32
    %c0_i32_8 = arith.constant 0 : i32
    %c0_i32_9 = arith.constant 0 : i32
    return %select_n3A_7, %c0_i32, %c0_i32_8 : i32, i32, i32
  }
  func.func @transform_2(%arg0: i32) -> (i32, i32, i32) {
    %jit3A = arith.constant 32 : i32
    %div3A = arith.divsi %arg0, %jit3A : i32
    %sign3A = arith.constant 0 : i32
    %sign3A_0 = arith.cmpi sgt, %arg0, %sign3A : i32
    %sign3A_1 = arith.extui %sign3A_0 : i1 to i32
    %sign3A_2 = arith.constant 0 : i32
    %sign3A_3 = arith.cmpi slt, %arg0, %sign3A_2 : i32
    %sign3A_4 = arith.extui %sign3A_3 : i1 to i32
    %sign3A_5 = arith.subi %sign3A_1, %sign3A_4 : i32
    %sign3A_6 = arith.constant 0 : i32
    %sign3A_7 = arith.cmpi sgt, %jit3A, %sign3A_6 : i32
    %sign3A_8 = arith.extui %sign3A_7 : i1 to i32
    %sign3A_9 = arith.constant 0 : i32
    %sign3A_10 = arith.cmpi slt, %jit3A, %sign3A_9 : i32
    %sign3A_11 = arith.extui %sign3A_10 : i1 to i32
    %sign3A_12 = arith.subi %sign3A_8, %sign3A_11 : i32
    %ne3A = arith.cmpi ne, %sign3A_5, %sign3A_12 : i32
    %rem3A = arith.remsi %arg0, %jit3A : i32
    %ne3A_13 = arith.constant 0 : i32
    %ne3A_14 = arith.cmpi ne, %rem3A, %ne3A_13 : i32
    %and3A = arith.andi %ne3A, %ne3A_14 : i1
    %sub3A = arith.constant 1 : i32
    %sub3A_15 = arith.subi %div3A, %sub3A : i32
    %select_n3A = arith.select %and3A, %sub3A_15, %div3A : i32
    %c0_i32 = arith.constant 0 : i32
    %c0_i32_16 = arith.constant 0 : i32
    %c0_i32_17 = arith.constant 0 : i32
    return %select_n3A, %c0_i32, %c0_i32_16 : i32, i32, i32
  }
  func.func @transform_3(%arg0: i32) -> (i32, i32) {
    %c0_i32 = arith.constant 0 : i32
    %c0_i32_0 = arith.constant 0 : i32
    %c0_i32_1 = arith.constant 0 : i32
    return %c0_i32, %c0_i32_0 : i32, i32
  }
  func.func @transform_4(%arg0: i32) -> (i32, i32, i32) {
    %c0_i32 = arith.constant 0 : i32
    %c0_i32_0 = arith.constant 0 : i32
    %c0_i32_1 = arith.constant 0 : i32
    return %arg0, %c0_i32, %c0_i32_0 : i32, i32, i32
  }
  func.func @transform_5(%arg0: i32) -> (i32, i32, i32) {
    %c0_i32 = arith.constant 0 : i32
    %c0_i32_0 = arith.constant 0 : i32
    %c0_i32_1 = arith.constant 0 : i32
    return %arg0, %c0_i32, %c0_i32_0 : i32, i32, i32
  }
}

module attributes {stable_mosaic.version = 14 : i64} {
  func.func @_stage_b_body(%arg0: i32, %arg1: memref<1x4096x128xf32, #tpu.memory_space<vmem>>, %arg2: memref<512x512xf32, #tpu.memory_space<vmem>>, %arg3: memref<256x320xf32, #tpu.memory_space<vmem>>, %arg4: memref<1x4096x128xf32, #tpu.memory_space<vmem>>) attributes {dimension_semantics = [#tpu.dimension_semantics<arbitrary>], iteration_bounds = array<i64: 128>, scalar_prefetch = 0 : i64, scratch_operands = 0 : i64, tpu.core_type = #tpu.core_type<tc>, window_params = [{transform_indices = @transform_0, window_bounds = array<i64: 1, 4096, 128>}, {pipeline_mode = #tpu.pipeline_mode<synchronous>, transform_indices = @transform_1, window_bounds = array<i64: 512, 512>}, {pipeline_mode = #tpu.pipeline_mode<synchronous>, transform_indices = @transform_2, window_bounds = array<i64: 256, 320>}, {transform_indices = @transform_3, window_bounds = array<i64: 1, 4096, 128>}]} {
    %get3A = arith.constant 0 : index
    %get3A_0 = arith.constant 0 : index
    %get3A_1 = arith.constant 0 : index
    %get3A_2 = vector.load %arg1[%get3A, %get3A_0, %get3A_1] : memref<1x4096x128xf32, #tpu.memory_space<vmem>>, vector<1x4096x128xf32>
    %get3A_3 = vector.shape_cast %get3A_2 : vector<1x4096x128xf32> to vector<4096x128xf32>
    %slice3A = vector.extract_strided_slice %get3A_3 {offsets = [0, 0], sizes = [4096, 64], strides = [1, 1]} : vector<4096x128xf32> to vector<4096x64xf32>
    %mul3A = arith.mulf %slice3A, %slice3A : vector<4096x64xf32>
    %reduce_sum3A = arith.constant dense<0.000000e+00> : vector<4096xf32>
    %reduce_sum3A_4 = vector.multi_reduction <add>, %mul3A, %reduce_sum3A [1] : vector<4096x64xf32> to vector<4096xf32>
    %broadcast_in_dim3A = vector.shape_cast %reduce_sum3A_4 : vector<4096xf32> to vector<4096x1xf32>
    %sqrt3A = math.sqrt %broadcast_in_dim3A : vector<4096x1xf32>
    %add3A = arith.constant 9.99999997E-7 : f32
    %add3A_5 = vector.broadcast %add3A : f32 to vector<4096x1xf32>
    %add3A_6 = arith.addf %sqrt3A, %add3A_5 : vector<4096x1xf32>
    %div3A = arith.constant 1.000000e+00 : f32
    %div3A_7 = vector.broadcast %div3A : f32 to vector<4096x1xf32>
    %div3A_8 = arith.divf %div3A_7, %add3A_6 : vector<4096x1xf32>
    %mul3A_9 = vector.broadcast %div3A_8 : vector<4096x1xf32> to vector<4096x64xf32>
    %mul3A_10 = arith.mulf %slice3A, %mul3A_9 : vector<4096x64xf32>
    %slice3A_11 = vector.extract_strided_slice %get3A_3 {offsets = [0, 64], sizes = [4096, 1], strides = [1, 1]} : vector<4096x128xf32> to vector<4096x1xf32>
    %bitcast_convert_type3A = tpu.bitcast %slice3A_11 : vector<4096x1xf32> -> vector<4096x1xi32>
    %and3A = arith.constant -1024 : i32
    %and3A_12 = vector.broadcast %and3A : i32 to vector<4096x1xi32>
    %and3A_13 = arith.andi %bitcast_convert_type3A, %and3A_12 : vector<4096x1xi32>
    %bitcast_convert_type3A_14 = tpu.bitcast %and3A_13 : vector<4096x1xi32> -> vector<4096x1xf32>
    %slice3A_15 = vector.extract_strided_slice %get3A_3 {offsets = [0, 65], sizes = [4096, 63], strides = [1, 1]} : vector<4096x128xf32> to vector<4096x63xf32>
    %broadcast_in_dim3A_16 = arith.constant 1.000000e+00 : f32
    %broadcast_in_dim3A_17 = vector.broadcast %broadcast_in_dim3A_16 : f32 to vector<4096x1xf32>
    %concatenate3A = tpu.concatenate %bitcast_convert_type3A_14, %slice3A_15, %broadcast_in_dim3A_17 in 1 : vector<4096x1xf32>, vector<4096x63xf32>, vector<4096x1xf32> -> vector<4096x65xf32>
    %and3A_18 = arith.constant 1023 : i32
    %and3A_19 = vector.broadcast %and3A_18 : i32 to vector<4096x1xi32>
    %and3A_20 = arith.andi %bitcast_convert_type3A, %and3A_19 : vector<4096x1xi32>
    %convert_element_type3A = arith.sitofp %and3A_20 : vector<4096x1xi32> to vector<4096x1xf32>
    %get3A_21 = arith.constant 0 : index
    %get3A_22 = arith.constant 0 : index
    %get3A_23 = vector.load %arg2[%get3A_21, %get3A_22] : memref<512x512xf32, #tpu.memory_space<vmem>>, vector<512x512xf32>
    %slice3A_24 = vector.extract_strided_slice %convert_element_type3A {offsets = [0, 0], sizes = [512, 1], strides = [1, 1]} : vector<4096x1xf32> to vector<512x1xf32>
    %dot_general3A = arith.constant dense<0.000000e+00> : vector<1x512xf32>
    %dot_general3A_25 = tpu.matmul %slice3A_24, %get3A_23, %dot_general3A {dimension_numbers = #tpu.dot_dimension_numbers<[0], [0], [1], [1], [0, 1, 1, 1], [], []>, precision = #tpu.contract_precision<fp32>, transpose_lhs_hint = false} : vector<512x1xf32>, vector<512x512xf32>, vector<1x512xf32> -> vector<1x512xf32>
    %slice3A_26 = vector.extract_strided_slice %convert_element_type3A {offsets = [512, 0], sizes = [512, 1], strides = [1, 1]} : vector<4096x1xf32> to vector<512x1xf32>
    %dot_general3A_27 = arith.constant dense<0.000000e+00> : vector<1x512xf32>
    %dot_general3A_28 = tpu.matmul %slice3A_26, %get3A_23, %dot_general3A_27 {dimension_numbers = #tpu.dot_dimension_numbers<[0], [0], [1], [1], [0, 1, 1, 1], [], []>, precision = #tpu.contract_precision<fp32>, transpose_lhs_hint = false} : vector<512x1xf32>, vector<512x512xf32>, vector<1x512xf32> -> vector<1x512xf32>
    %slice3A_29 = vector.extract_strided_slice %convert_element_type3A {offsets = [1024, 0], sizes = [512, 1], strides = [1, 1]} : vector<4096x1xf32> to vector<512x1xf32>
    %dot_general3A_30 = arith.constant dense<0.000000e+00> : vector<1x512xf32>
    %dot_general3A_31 = tpu.matmul %slice3A_29, %get3A_23, %dot_general3A_30 {dimension_numbers = #tpu.dot_dimension_numbers<[0], [0], [1], [1], [0, 1, 1, 1], [], []>, precision = #tpu.contract_precision<fp32>, transpose_lhs_hint = false} : vector<512x1xf32>, vector<512x512xf32>, vector<1x512xf32> -> vector<1x512xf32>
    %slice3A_32 = vector.extract_strided_slice %convert_element_type3A {offsets = [1536, 0], sizes = [512, 1], strides = [1, 1]} : vector<4096x1xf32> to vector<512x1xf32>
    %dot_general3A_33 = arith.constant dense<0.000000e+00> : vector<1x512xf32>
    %dot_general3A_34 = tpu.matmul %slice3A_32, %get3A_23, %dot_general3A_33 {dimension_numbers = #tpu.dot_dimension_numbers<[0], [0], [1], [1], [0, 1, 1, 1], [], []>, precision = #tpu.contract_precision<fp32>, transpose_lhs_hint = false} : vector<512x1xf32>, vector<512x512xf32>, vector<1x512xf32> -> vector<1x512xf32>
    %slice3A_35 = vector.extract_strided_slice %convert_element_type3A {offsets = [2048, 0], sizes = [512, 1], strides = [1, 1]} : vector<4096x1xf32> to vector<512x1xf32>
    %dot_general3A_36 = arith.constant dense<0.000000e+00> : vector<1x512xf32>
    %dot_general3A_37 = tpu.matmul %slice3A_35, %get3A_23, %dot_general3A_36 {dimension_numbers = #tpu.dot_dimension_numbers<[0], [0], [1], [1], [0, 1, 1, 1], [], []>, precision = #tpu.contract_precision<fp32>, transpose_lhs_hint = false} : vector<512x1xf32>, vector<512x512xf32>, vector<1x512xf32> -> vector<1x512xf32>
    %slice3A_38 = vector.extract_strided_slice %convert_element_type3A {offsets = [2560, 0], sizes = [512, 1], strides = [1, 1]} : vector<4096x1xf32> to vector<512x1xf32>
    %dot_general3A_39 = arith.constant dense<0.000000e+00> : vector<1x512xf32>
    %dot_general3A_40 = tpu.matmul %slice3A_38, %get3A_23, %dot_general3A_39 {dimension_numbers = #tpu.dot_dimension_numbers<[0], [0], [1], [1], [0, 1, 1, 1], [], []>, precision = #tpu.contract_precision<fp32>, transpose_lhs_hint = false} : vector<512x1xf32>, vector<512x512xf32>, vector<1x512xf32> -> vector<1x512xf32>
    %slice3A_41 = vector.extract_strided_slice %convert_element_type3A {offsets = [3072, 0], sizes = [512, 1], strides = [1, 1]} : vector<4096x1xf32> to vector<512x1xf32>
    %dot_general3A_42 = arith.constant dense<0.000000e+00> : vector<1x512xf32>
    %dot_general3A_43 = tpu.matmul %slice3A_41, %get3A_23, %dot_general3A_42 {dimension_numbers = #tpu.dot_dimension_numbers<[0], [0], [1], [1], [0, 1, 1, 1], [], []>, precision = #tpu.contract_precision<fp32>, transpose_lhs_hint = false} : vector<512x1xf32>, vector<512x512xf32>, vector<1x512xf32> -> vector<1x512xf32>
    %slice3A_44 = vector.extract_strided_slice %convert_element_type3A {offsets = [3584, 0], sizes = [512, 1], strides = [1, 1]} : vector<4096x1xf32> to vector<512x1xf32>
    %dot_general3A_45 = arith.constant dense<0.000000e+00> : vector<1x512xf32>
    %dot_general3A_46 = tpu.matmul %slice3A_44, %get3A_23, %dot_general3A_45 {dimension_numbers = #tpu.dot_dimension_numbers<[0], [0], [1], [1], [0, 1, 1, 1], [], []>, precision = #tpu.contract_precision<fp32>, transpose_lhs_hint = false} : vector<512x1xf32>, vector<512x512xf32>, vector<1x512xf32> -> vector<1x512xf32>
    %concatenate3A_47 = tpu.concatenate %dot_general3A_25, %dot_general3A_28, %dot_general3A_31, %dot_general3A_34, %dot_general3A_37, %dot_general3A_40, %dot_general3A_43, %dot_general3A_46 in 1 : vector<1x512xf32>, vector<1x512xf32>, vector<1x512xf32>, vector<1x512xf32>, vector<1x512xf32>, vector<1x512xf32>, vector<1x512xf32>, vector<1x512xf32> -> vector<1x4096xf32>
    %get3A_48 = arith.constant 0 : index
    %get3A_49 = arith.constant 0 : index
    %get3A_50 = vector.load %arg3[%get3A_48, %get3A_49] : memref<256x320xf32, #tpu.memory_space<vmem>>, vector<256x320xf32>
    %broadcast_in_dim3A_51 = arith.constant 0.000000e+00 : f32
    %broadcast_in_dim3A_52 = vector.broadcast %broadcast_in_dim3A_51 : f32 to vector<256x63xf32>
    %slice3A_53 = vector.extract_strided_slice %mul3A_10 {offsets = [4032, 0], sizes = [64, 64], strides = [1, 1]} : vector<4096x64xf32> to vector<64x64xf32>
    %slice3A_54 = vector.extract_strided_slice %mul3A_10 {offsets = [0, 0], sizes = [256, 64], strides = [1, 1]} : vector<4096x64xf32> to vector<256x64xf32>
    %concatenate3A_55 = tpu.concatenate %slice3A_53, %slice3A_54 in 0 : vector<64x64xf32>, vector<256x64xf32> -> vector<320x64xf32>
    %slice3A_56 = vector.extract_strided_slice %concatenate3A {offsets = [4032, 0], sizes = [64, 65], strides = [1, 1]} : vector<4096x65xf32> to vector<64x65xf32>
    %slice3A_57 = vector.extract_strided_slice %concatenate3A {offsets = [0, 0], sizes = [256, 65], strides = [1, 1]} : vector<4096x65xf32> to vector<256x65xf32>
    %concatenate3A_58 = tpu.concatenate %slice3A_56, %slice3A_57 in 0 : vector<64x65xf32>, vector<256x65xf32> -> vector<320x65xf32>
    %slice3A_59 = vector.extract_strided_slice %concatenate3A_47 {offsets = [0, 4032], sizes = [1, 64], strides = [1, 1]} : vector<1x4096xf32> to vector<1x64xf32>
    %slice3A_60 = vector.extract_strided_slice %concatenate3A_47 {offsets = [0, 0], sizes = [1, 256], strides = [1, 1]} : vector<1x4096xf32> to vector<1x256xf32>
    %concatenate3A_61 = tpu.concatenate %slice3A_59, %slice3A_60 in 1 : vector<1x64xf32>, vector<1x256xf32> -> vector<1x320xf32>
    %slice3A_62 = vector.extract_strided_slice %slice3A {offsets = [0, 0], sizes = [256, 64], strides = [1, 1]} : vector<4096x64xf32> to vector<256x64xf32>
    %slice3A_63 = vector.extract_strided_slice %convert_element_type3A {offsets = [0, 0], sizes = [256, 1], strides = [1, 1]} : vector<4096x1xf32> to vector<256x1xf32>
    %dot_general3A_64 = arith.constant dense<0.000000e+00> : vector<256x320xf32>
    %dot_general3A_65 = tpu.matmul %slice3A_62, %concatenate3A_55, %dot_general3A_64 {dimension_numbers = #tpu.dot_dimension_numbers<[1], [1], [0], [0], [0, 0, 1, 0], [], []>, transpose_lhs_hint = false} : vector<256x64xf32>, vector<320x64xf32>, vector<256x320xf32> -> vector<256x320xf32>
    %mul3A_66 = arith.constant 1.250000e-01 : f32
    %mul3A_67 = vector.broadcast %mul3A_66 : f32 to vector<256x320xf32>
    %mul3A_68 = arith.mulf %dot_general3A_65, %mul3A_67 : vector<256x320xf32>
    %ne3A = vector.broadcast %slice3A_63 : vector<256x1xf32> to vector<256x320xf32>
    %ne3A_69 = vector.broadcast %concatenate3A_61 : vector<1x320xf32> to vector<256x320xf32>
    %ne3A_70 = arith.cmpf one, %ne3A, %ne3A_69 : vector<256x320xf32>
    %convert_element_type3A_71 = arith.extui %ne3A_70 : vector<256x320xi1> to vector<256x320xi32>
    %convert_element_type3A_72 = arith.sitofp %convert_element_type3A_71 : vector<256x320xi32> to vector<256x320xf32>
    %mul3A_73 = arith.mulf %get3A_50, %convert_element_type3A_72 : vector<256x320xf32>
    %exp3A = math.exp %mul3A_68 : vector<256x320xf32>
    %mul3A_74 = arith.mulf %exp3A, %mul3A_73 : vector<256x320xf32>
    %dot_general3A_75 = arith.constant dense<0.000000e+00> : vector<256x65xf32>
    %dot_general3A_76 = tpu.matmul %mul3A_74, %concatenate3A_58, %dot_general3A_75 {dimension_numbers = #tpu.dot_dimension_numbers<[1], [0], [0], [1], [0, 0, 1, 1], [], []>, transpose_lhs_hint = false} : vector<256x320xf32>, vector<320x65xf32>, vector<256x65xf32> -> vector<256x65xf32>
    %slice3A_77 = vector.extract_strided_slice %dot_general3A_76 {offsets = [0, 64], sizes = [256, 1], strides = [1, 1]} : vector<256x65xf32> to vector<256x1xf32>
    %log3A = math.log %slice3A_77 : vector<256x1xf32>
    %slice3A_78 = vector.extract_strided_slice %dot_general3A_76 {offsets = [0, 0], sizes = [256, 64], strides = [1, 1]} : vector<256x65xf32> to vector<256x64xf32>
    %div3A_79 = arith.constant 1.000000e+00 : f32
    %div3A_80 = vector.broadcast %div3A_79 : f32 to vector<256x1xf32>
    %div3A_81 = arith.divf %div3A_80, %slice3A_77 : vector<256x1xf32>
    %mul3A_82 = vector.broadcast %div3A_81 : vector<256x1xf32> to vector<256x64xf32>
    %mul3A_83 = arith.mulf %slice3A_78, %mul3A_82 : vector<256x64xf32>
    %concatenate3A_84 = tpu.concatenate %mul3A_83, %log3A, %broadcast_in_dim3A_52 in 1 : vector<256x64xf32>, vector<256x1xf32>, vector<256x63xf32> -> vector<256x128xf32>
    %swap3A = arith.constant 0 : index
    %swap3A_85 = arith.constant 0 : index
    %swap3A_86 = arith.constant 0 : index
    %swap3A_87 = vector.load %arg4[%swap3A, %swap3A_85, %swap3A_86] : memref<1x4096x128xf32, #tpu.memory_space<vmem>>, vector<1x256x128xf32>
    %swap3A_88 = vector.shape_cast %swap3A_87 : vector<1x256x128xf32> to vector<256x128xf32>
    %swap3A_89 = vector.shape_cast %concatenate3A_84 : vector<256x128xf32> to vector<1x256x128xf32>
    tpu.vector_store %arg4[%swap3A, %swap3A_85, %swap3A_86], %swap3A_89 {strides = array<i32>} : memref<1x4096x128xf32, #tpu.memory_space<vmem>>, vector<1x256x128xf32>,
    %slice3A_90 = vector.extract_strided_slice %mul3A_10 {offsets = [192, 0], sizes = [320, 64], strides = [1, 1]} : vector<4096x64xf32> to vector<320x64xf32>
    %slice3A_91 = vector.extract_strided_slice %concatenate3A {offsets = [192, 0], sizes = [320, 65], strides = [1, 1]} : vector<4096x65xf32> to vector<320x65xf32>
    %slice3A_92 = vector.extract_strided_slice %concatenate3A_47 {offsets = [0, 192], sizes = [1, 320], strides = [1, 1]} : vector<1x4096xf32> to vector<1x320xf32>
    %slice3A_93 = vector.extract_strided_slice %slice3A {offsets = [256, 0], sizes = [256, 64], strides = [1, 1]} : vector<4096x64xf32> to vector<256x64xf32>
    %slice3A_94 = vector.extract_strided_slice %convert_element_type3A {offsets = [256, 0], sizes = [256, 1], strides = [1, 1]} : vector<4096x1xf32> to vector<256x1xf32>
    %dot_general3A_95 = arith.constant dense<0.000000e+00> : vector<256x320xf32>
    %dot_general3A_96 = tpu.matmul %slice3A_93, %slice3A_90, %dot_general3A_95 {dimension_numbers = #tpu.dot_dimension_numbers<[1], [1], [0], [0], [0, 0, 1, 0], [], []>, transpose_lhs_hint = false} : vector<256x64xf32>, vector<320x64xf32>, vector<256x320xf32> -> vector<256x320xf32>
    %mul3A_97 = arith.constant 1.250000e-01 : f32
    %mul3A_98 = vector.broadcast %mul3A_97 : f32 to vector<256x320xf32>
    %mul3A_99 = arith.mulf %dot_general3A_96, %mul3A_98 : vector<256x320xf32>
    %ne3A_100 = vector.broadcast %slice3A_94 : vector<256x1xf32> to vector<256x320xf32>
    %ne3A_101 = vector.broadcast %slice3A_92 : vector<1x320xf32> to vector<256x320xf32>
    %ne3A_102 = arith.cmpf one, %ne3A_100, %ne3A_101 : vector<256x320xf32>
    %convert_element_type3A_103 = arith.extui %ne3A_102 : vector<256x320xi1> to vector<256x320xi32>
    %convert_element_type3A_104 = arith.sitofp %convert_element_type3A_103 : vector<256x320xi32> to vector<256x320xf32>
    %mul3A_105 = arith.mulf %get3A_50, %convert_element_type3A_104 : vector<256x320xf32>
    %exp3A_106 = math.exp %mul3A_99 : vector<256x320xf32>
    %mul3A_107 = arith.mulf %exp3A_106, %mul3A_105 : vector<256x320xf32>
    %dot_general3A_108 = arith.constant dense<0.000000e+00> : vector<256x65xf32>
    %dot_general3A_109 = tpu.matmul %mul3A_107, %slice3A_91, %dot_general3A_108 {dimension_numbers = #tpu.dot_dimension_numbers<[1], [0], [0], [1], [0, 0, 1, 1], [], []>, transpose_lhs_hint = false} : vector<256x320xf32>, vector<320x65xf32>, vector<256x65xf32> -> vector<256x65xf32>
    %slice3A_110 = vector.extract_strided_slice %dot_general3A_109 {offsets = [0, 64], sizes = [256, 1], strides = [1, 1]} : vector<256x65xf32> to vector<256x1xf32>
    %log3A_111 = math.log %slice3A_110 : vector<256x1xf32>
    %slice3A_112 = vector.extract_strided_slice %dot_general3A_109 {offsets = [0, 0], sizes = [256, 64], strides = [1, 1]} : vector<256x65xf32> to vector<256x64xf32>
    %div3A_113 = arith.constant 1.000000e+00 : f32
    %div3A_114 = vector.broadcast %div3A_113 : f32 to vector<256x1xf32>
    %div3A_115 = arith.divf %div3A_114, %slice3A_110 : vector<256x1xf32>
    %mul3A_116 = vector.broadcast %div3A_115 : vector<256x1xf32> to vector<256x64xf32>
    %mul3A_117 = arith.mulf %slice3A_112, %mul3A_116 : vector<256x64xf32>
    %concatenate3A_118 = tpu.concatenate %mul3A_117, %log3A_111, %broadcast_in_dim3A_52 in 1 : vector<256x64xf32>, vector<256x1xf32>, vector<256x63xf32> -> vector<256x128xf32>
    %swap3A_119 = arith.constant 0 : index
    %swap3A_120 = arith.constant 256 : index
    %swap3A_121 = arith.constant 0 : index
    %swap3A_122 = vector.load %arg4[%swap3A_119, %swap3A_120, %swap3A_121] : memref<1x4096x128xf32, #tpu.memory_space<vmem>>, vector<1x256x128xf32>
    %swap3A_123 = vector.shape_cast %swap3A_122 : vector<1x256x128xf32> to vector<256x128xf32>
    %swap3A_124 = vector.shape_cast %concatenate3A_118 : vector<256x128xf32> to vector<1x256x128xf32>
    tpu.vector_store %arg4[%swap3A_119, %swap3A_120, %swap3A_121], %swap3A_124 {strides = array<i32>} : memref<1x4096x128xf32, #tpu.memory_space<vmem>>, vector<1x256x128xf32>,
    %slice3A_125 = vector.extract_strided_slice %mul3A_10 {offsets = [448, 0], sizes = [320, 64], strides = [1, 1]} : vector<4096x64xf32> to vector<320x64xf32>
    %slice3A_126 = vector.extract_strided_slice %concatenate3A {offsets = [448, 0], sizes = [320, 65], strides = [1, 1]} : vector<4096x65xf32> to vector<320x65xf32>
    %slice3A_127 = vector.extract_strided_slice %concatenate3A_47 {offsets = [0, 448], sizes = [1, 320], strides = [1, 1]} : vector<1x4096xf32> to vector<1x320xf32>
    %slice3A_128 = vector.extract_strided_slice %slice3A {offsets = [512, 0], sizes = [256, 64], strides = [1, 1]} : vector<4096x64xf32> to vector<256x64xf32>
    %slice3A_129 = vector.extract_strided_slice %convert_element_type3A {offsets = [512, 0], sizes = [256, 1], strides = [1, 1]} : vector<4096x1xf32> to vector<256x1xf32>
    %dot_general3A_130 = arith.constant dense<0.000000e+00> : vector<256x320xf32>
    %dot_general3A_131 = tpu.matmul %slice3A_128, %slice3A_125, %dot_general3A_130 {dimension_numbers = #tpu.dot_dimension_numbers<[1], [1], [0], [0], [0, 0, 1, 0], [], []>, transpose_lhs_hint = false} : vector<256x64xf32>, vector<320x64xf32>, vector<256x320xf32> -> vector<256x320xf32>
    %mul3A_132 = arith.constant 1.250000e-01 : f32
    %mul3A_133 = vector.broadcast %mul3A_132 : f32 to vector<256x320xf32>
    %mul3A_134 = arith.mulf %dot_general3A_131, %mul3A_133 : vector<256x320xf32>
    %ne3A_135 = vector.broadcast %slice3A_129 : vector<256x1xf32> to vector<256x320xf32>
    %ne3A_136 = vector.broadcast %slice3A_127 : vector<1x320xf32> to vector<256x320xf32>
    %ne3A_137 = arith.cmpf one, %ne3A_135, %ne3A_136 : vector<256x320xf32>
    %convert_element_type3A_138 = arith.extui %ne3A_137 : vector<256x320xi1> to vector<256x320xi32>
    %convert_element_type3A_139 = arith.sitofp %convert_element_type3A_138 : vector<256x320xi32> to vector<256x320xf32>
    %mul3A_140 = arith.mulf %get3A_50, %convert_element_type3A_139 : vector<256x320xf32>
    %exp3A_141 = math.exp %mul3A_134 : vector<256x320xf32>
    %mul3A_142 = arith.mulf %exp3A_141, %mul3A_140 : vector<256x320xf32>
    %dot_general3A_143 = arith.constant dense<0.000000e+00> : vector<256x65xf32>
    %dot_general3A_144 = tpu.matmul %mul3A_142, %slice3A_126, %dot_general3A_143 {dimension_numbers = #tpu.dot_dimension_numbers<[1], [0], [0], [1], [0, 0, 1, 1], [], []>, transpose_lhs_hint = false} : vector<256x320xf32>, vector<320x65xf32>, vector<256x65xf32> -> vector<256x65xf32>
    %slice3A_145 = vector.extract_strided_slice %dot_general3A_144 {offsets = [0, 64], sizes = [256, 1], strides = [1, 1]} : vector<256x65xf32> to vector<256x1xf32>
    %log3A_146 = math.log %slice3A_145 : vector<256x1xf32>
    %slice3A_147 = vector.extract_strided_slice %dot_general3A_144 {offsets = [0, 0], sizes = [256, 64], strides = [1, 1]} : vector<256x65xf32> to vector<256x64xf32>
    %div3A_148 = arith.constant 1.000000e+00 : f32
    %div3A_149 = vector.broadcast %div3A_148 : f32 to vector<256x1xf32>
    %div3A_150 = arith.divf %div3A_149, %slice3A_145 : vector<256x1xf32>
    %mul3A_151 = vector.broadcast %div3A_150 : vector<256x1xf32> to vector<256x64xf32>
    %mul3A_152 = arith.mulf %slice3A_147, %mul3A_151 : vector<256x64xf32>
    %concatenate3A_153 = tpu.concatenate %mul3A_152, %log3A_146, %broadcast_in_dim3A_52 in 1 : vector<256x64xf32>, vector<256x1xf32>, vector<256x63xf32> -> vector<256x128xf32>
    %swap3A_154 = arith.constant 0 : index
    %swap3A_155 = arith.constant 512 : index
    %swap3A_156 = arith.constant 0 : index
    %swap3A_157 = vector.load %arg4[%swap3A_154, %swap3A_155, %swap3A_156] : memref<1x4096x128xf32, #tpu.memory_space<vmem>>, vector<1x256x128xf32>
    %swap3A_158 = vector.shape_cast %swap3A_157 : vector<1x256x128xf32> to vector<256x128xf32>
    %swap3A_159 = vector.shape_cast %concatenate3A_153 : vector<256x128xf32> to vector<1x256x128xf32>
    tpu.vector_store %arg4[%swap3A_154, %swap3A_155, %swap3A_156], %swap3A_159 {strides = array<i32>} : memref<1x4096x128xf32, #tpu.memory_space<vmem>>, vector<1x256x128xf32>,
    %slice3A_160 = vector.extract_strided_slice %mul3A_10 {offsets = [704, 0], sizes = [320, 64], strides = [1, 1]} : vector<4096x64xf32> to vector<320x64xf32>
    %slice3A_161 = vector.extract_strided_slice %concatenate3A {offsets = [704, 0], sizes = [320, 65], strides = [1, 1]} : vector<4096x65xf32> to vector<320x65xf32>
    %slice3A_162 = vector.extract_strided_slice %concatenate3A_47 {offsets = [0, 704], sizes = [1, 320], strides = [1, 1]} : vector<1x4096xf32> to vector<1x320xf32>
    %slice3A_163 = vector.extract_strided_slice %slice3A {offsets = [768, 0], sizes = [256, 64], strides = [1, 1]} : vector<4096x64xf32> to vector<256x64xf32>
    %slice3A_164 = vector.extract_strided_slice %convert_element_type3A {offsets = [768, 0], sizes = [256, 1], strides = [1, 1]} : vector<4096x1xf32> to vector<256x1xf32>
    %dot_general3A_165 = arith.constant dense<0.000000e+00> : vector<256x320xf32>
    %dot_general3A_166 = tpu.matmul %slice3A_163, %slice3A_160, %dot_general3A_165 {dimension_numbers = #tpu.dot_dimension_numbers<[1], [1], [0], [0], [0, 0, 1, 0], [], []>, transpose_lhs_hint = false} : vector<256x64xf32>, vector<320x64xf32>, vector<256x320xf32> -> vector<256x320xf32>
    %mul3A_167 = arith.constant 1.250000e-01 : f32
    %mul3A_168 = vector.broadcast %mul3A_167 : f32 to vector<256x320xf32>
    %mul3A_169 = arith.mulf %dot_general3A_166, %mul3A_168 : vector<256x320xf32>
    %ne3A_170 = vector.broadcast %slice3A_164 : vector<256x1xf32> to vector<256x320xf32>
    %ne3A_171 = vector.broadcast %slice3A_162 : vector<1x320xf32> to vector<256x320xf32>
    %ne3A_172 = arith.cmpf one, %ne3A_170, %ne3A_171 : vector<256x320xf32>
    %convert_element_type3A_173 = arith.extui %ne3A_172 : vector<256x320xi1> to vector<256x320xi32>
    %convert_element_type3A_174 = arith.sitofp %convert_element_type3A_173 : vector<256x320xi32> to vector<256x320xf32>
    %mul3A_175 = arith.mulf %get3A_50, %convert_element_type3A_174 : vector<256x320xf32>
    %exp3A_176 = math.exp %mul3A_169 : vector<256x320xf32>
    %mul3A_177 = arith.mulf %exp3A_176, %mul3A_175 : vector<256x320xf32>
    %dot_general3A_178 = arith.constant dense<0.000000e+00> : vector<256x65xf32>
    %dot_general3A_179 = tpu.matmul %mul3A_177, %slice3A_161, %dot_general3A_178 {dimension_numbers = #tpu.dot_dimension_numbers<[1], [0], [0], [1], [0, 0, 1, 1], [], []>, transpose_lhs_hint = false} : vector<256x320xf32>, vector<320x65xf32>, vector<256x65xf32> -> vector<256x65xf32>
    %slice3A_180 = vector.extract_strided_slice %dot_general3A_179 {offsets = [0, 64], sizes = [256, 1], strides = [1, 1]} : vector<256x65xf32> to vector<256x1xf32>
    %log3A_181 = math.log %slice3A_180 : vector<256x1xf32>
    %slice3A_182 = vector.extract_strided_slice %dot_general3A_179 {offsets = [0, 0], sizes = [256, 64], strides = [1, 1]} : vector<256x65xf32> to vector<256x64xf32>
    %div3A_183 = arith.constant 1.000000e+00 : f32
    %div3A_184 = vector.broadcast %div3A_183 : f32 to vector<256x1xf32>
    %div3A_185 = arith.divf %div3A_184, %slice3A_180 : vector<256x1xf32>
    %mul3A_186 = vector.broadcast %div3A_185 : vector<256x1xf32> to vector<256x64xf32>
    %mul3A_187 = arith.mulf %slice3A_182, %mul3A_186 : vector<256x64xf32>
    %concatenate3A_188 = tpu.concatenate %mul3A_187, %log3A_181, %broadcast_in_dim3A_52 in 1 : vector<256x64xf32>, vector<256x1xf32>, vector<256x63xf32> -> vector<256x128xf32>
    %swap3A_189 = arith.constant 0 : index
    %swap3A_190 = arith.constant 768 : index
    %swap3A_191 = arith.constant 0 : index
    %swap3A_192 = vector.load %arg4[%swap3A_189, %swap3A_190, %swap3A_191] : memref<1x4096x128xf32, #tpu.memory_space<vmem>>, vector<1x256x128xf32>
    %swap3A_193 = vector.shape_cast %swap3A_192 : vector<1x256x128xf32> to vector<256x128xf32>
    %swap3A_194 = vector.shape_cast %concatenate3A_188 : vector<256x128xf32> to vector<1x256x128xf32>
    tpu.vector_store %arg4[%swap3A_189, %swap3A_190, %swap3A_191], %swap3A_194 {strides = array<i32>} : memref<1x4096x128xf32, #tpu.memory_space<vmem>>, vector<1x256x128xf32>,
    %slice3A_195 = vector.extract_strided_slice %mul3A_10 {offsets = [960, 0], sizes = [320, 64], strides = [1, 1]} : vector<4096x64xf32> to vector<320x64xf32>
    %slice3A_196 = vector.extract_strided_slice %concatenate3A {offsets = [960, 0], sizes = [320, 65], strides = [1, 1]} : vector<4096x65xf32> to vector<320x65xf32>
    %slice3A_197 = vector.extract_strided_slice %concatenate3A_47 {offsets = [0, 960], sizes = [1, 320], strides = [1, 1]} : vector<1x4096xf32> to vector<1x320xf32>
    %slice3A_198 = vector.extract_strided_slice %slice3A {offsets = [1024, 0], sizes = [256, 64], strides = [1, 1]} : vector<4096x64xf32> to vector<256x64xf32>
    %slice3A_199 = vector.extract_strided_slice %convert_element_type3A {offsets = [1024, 0], sizes = [256, 1], strides = [1, 1]} : vector<4096x1xf32> to vector<256x1xf32>
    %dot_general3A_200 = arith.constant dense<0.000000e+00> : vector<256x320xf32>
    %dot_general3A_201 = tpu.matmul %slice3A_198, %slice3A_195, %dot_general3A_200 {dimension_numbers = #tpu.dot_dimension_numbers<[1], [1], [0], [0], [0, 0, 1, 0], [], []>, transpose_lhs_hint = false} : vector<256x64xf32>, vector<320x64xf32>, vector<256x320xf32> -> vector<256x320xf32>
    %mul3A_202 = arith.constant 1.250000e-01 : f32
    %mul3A_203 = vector.broadcast %mul3A_202 : f32 to vector<256x320xf32>
    %mul3A_204 = arith.mulf %dot_general3A_201, %mul3A_203 : vector<256x320xf32>
    %ne3A_205 = vector.broadcast %slice3A_199 : vector<256x1xf32> to vector<256x320xf32>
    %ne3A_206 = vector.broadcast %slice3A_197 : vector<1x320xf32> to vector<256x320xf32>
    %ne3A_207 = arith.cmpf one, %ne3A_205, %ne3A_206 : vector<256x320xf32>
    %convert_element_type3A_208 = arith.extui %ne3A_207 : vector<256x320xi1> to vector<256x320xi32>
    %convert_element_type3A_209 = arith.sitofp %convert_element_type3A_208 : vector<256x320xi32> to vector<256x320xf32>
    %mul3A_210 = arith.mulf %get3A_50, %convert_element_type3A_209 : vector<256x320xf32>
    %exp3A_211 = math.exp %mul3A_204 : vector<256x320xf32>
    %mul3A_212 = arith.mulf %exp3A_211, %mul3A_210 : vector<256x320xf32>
    %dot_general3A_213 = arith.constant dense<0.000000e+00> : vector<256x65xf32>
    %dot_general3A_214 = tpu.matmul %mul3A_212, %slice3A_196, %dot_general3A_213 {dimension_numbers = #tpu.dot_dimension_numbers<[1], [0], [0], [1], [0, 0, 1, 1], [], []>, transpose_lhs_hint = false} : vector<256x320xf32>, vector<320x65xf32>, vector<256x65xf32> -> vector<256x65xf32>
    %slice3A_215 = vector.extract_strided_slice %dot_general3A_214 {offsets = [0, 64], sizes = [256, 1], strides = [1, 1]} : vector<256x65xf32> to vector<256x1xf32>
    %log3A_216 = math.log %slice3A_215 : vector<256x1xf32>
    %slice3A_217 = vector.extract_strided_slice %dot_general3A_214 {offsets = [0, 0], sizes = [256, 64], strides = [1, 1]} : vector<256x65xf32> to vector<256x64xf32>
    %div3A_218 = arith.constant 1.000000e+00 : f32
    %div3A_219 = vector.broadcast %div3A_218 : f32 to vector<256x1xf32>
    %div3A_220 = arith.divf %div3A_219, %slice3A_215 : vector<256x1xf32>
    %mul3A_221 = vector.broadcast %div3A_220 : vector<256x1xf32> to vector<256x64xf32>
    %mul3A_222 = arith.mulf %slice3A_217, %mul3A_221 : vector<256x64xf32>
    %concatenate3A_223 = tpu.concatenate %mul3A_222, %log3A_216, %broadcast_in_dim3A_52 in 1 : vector<256x64xf32>, vector<256x1xf32>, vector<256x63xf32> -> vector<256x128xf32>
    %swap3A_224 = arith.constant 0 : index
    %swap3A_225 = arith.constant 1024 : index
    %swap3A_226 = arith.constant 0 : index
    %swap3A_227 = vector.load %arg4[%swap3A_224, %swap3A_225, %swap3A_226] : memref<1x4096x128xf32, #tpu.memory_space<vmem>>, vector<1x256x128xf32>
    %swap3A_228 = vector.shape_cast %swap3A_227 : vector<1x256x128xf32> to vector<256x128xf32>
    %swap3A_229 = vector.shape_cast %concatenate3A_223 : vector<256x128xf32> to vector<1x256x128xf32>
    tpu.vector_store %arg4[%swap3A_224, %swap3A_225, %swap3A_226], %swap3A_229 {strides = array<i32>} : memref<1x4096x128xf32, #tpu.memory_space<vmem>>, vector<1x256x128xf32>,
    %slice3A_230 = vector.extract_strided_slice %mul3A_10 {offsets = [1216, 0], sizes = [320, 64], strides = [1, 1]} : vector<4096x64xf32> to vector<320x64xf32>
    %slice3A_231 = vector.extract_strided_slice %concatenate3A {offsets = [1216, 0], sizes = [320, 65], strides = [1, 1]} : vector<4096x65xf32> to vector<320x65xf32>
    %slice3A_232 = vector.extract_strided_slice %concatenate3A_47 {offsets = [0, 1216], sizes = [1, 320], strides = [1, 1]} : vector<1x4096xf32> to vector<1x320xf32>
    %slice3A_233 = vector.extract_strided_slice %slice3A {offsets = [1280, 0], sizes = [256, 64], strides = [1, 1]} : vector<4096x64xf32> to vector<256x64xf32>
    %slice3A_234 = vector.extract_strided_slice %convert_element_type3A {offsets = [1280, 0], sizes = [256, 1], strides = [1, 1]} : vector<4096x1xf32> to vector<256x1xf32>
    %dot_general3A_235 = arith.constant dense<0.000000e+00> : vector<256x320xf32>
    %dot_general3A_236 = tpu.matmul %slice3A_233, %slice3A_230, %dot_general3A_235 {dimension_numbers = #tpu.dot_dimension_numbers<[1], [1], [0], [0], [0, 0, 1, 0], [], []>, transpose_lhs_hint = false} : vector<256x64xf32>, vector<320x64xf32>, vector<256x320xf32> -> vector<256x320xf32>
    %mul3A_237 = arith.constant 1.250000e-01 : f32
    %mul3A_238 = vector.broadcast %mul3A_237 : f32 to vector<256x320xf32>
    %mul3A_239 = arith.mulf %dot_general3A_236, %mul3A_238 : vector<256x320xf32>
    %ne3A_240 = vector.broadcast %slice3A_234 : vector<256x1xf32> to vector<256x320xf32>
    %ne3A_241 = vector.broadcast %slice3A_232 : vector<1x320xf32> to vector<256x320xf32>
    %ne3A_242 = arith.cmpf one, %ne3A_240, %ne3A_241 : vector<256x320xf32>
    %convert_element_type3A_243 = arith.extui %ne3A_242 : vector<256x320xi1> to vector<256x320xi32>
    %convert_element_type3A_244 = arith.sitofp %convert_element_type3A_243 : vector<256x320xi32> to vector<256x320xf32>
    %mul3A_245 = arith.mulf %get3A_50, %convert_element_type3A_244 : vector<256x320xf32>
    %exp3A_246 = math.exp %mul3A_239 : vector<256x320xf32>
    %mul3A_247 = arith.mulf %exp3A_246, %mul3A_245 : vector<256x320xf32>
    %dot_general3A_248 = arith.constant dense<0.000000e+00> : vector<256x65xf32>
    %dot_general3A_249 = tpu.matmul %mul3A_247, %slice3A_231, %dot_general3A_248 {dimension_numbers = #tpu.dot_dimension_numbers<[1], [0], [0], [1], [0, 0, 1, 1], [], []>, transpose_lhs_hint = false} : vector<256x320xf32>, vector<320x65xf32>, vector<256x65xf32> -> vector<256x65xf32>
    %slice3A_250 = vector.extract_strided_slice %dot_general3A_249 {offsets = [0, 64], sizes = [256, 1], strides = [1, 1]} : vector<256x65xf32> to vector<256x1xf32>
    %log3A_251 = math.log %slice3A_250 : vector<256x1xf32>
    %slice3A_252 = vector.extract_strided_slice %dot_general3A_249 {offsets = [0, 0], sizes = [256, 64], strides = [1, 1]} : vector<256x65xf32> to vector<256x64xf32>
    %div3A_253 = arith.constant 1.000000e+00 : f32
    %div3A_254 = vector.broadcast %div3A_253 : f32 to vector<256x1xf32>
    %div3A_255 = arith.divf %div3A_254, %slice3A_250 : vector<256x1xf32>
    %mul3A_256 = vector.broadcast %div3A_255 : vector<256x1xf32> to vector<256x64xf32>
    %mul3A_257 = arith.mulf %slice3A_252, %mul3A_256 : vector<256x64xf32>
    %concatenate3A_258 = tpu.concatenate %mul3A_257, %log3A_251, %broadcast_in_dim3A_52 in 1 : vector<256x64xf32>, vector<256x1xf32>, vector<256x63xf32> -> vector<256x128xf32>
    %swap3A_259 = arith.constant 0 : index
    %swap3A_260 = arith.constant 1280 : index
    %swap3A_261 = arith.constant 0 : index
    %swap3A_262 = vector.load %arg4[%swap3A_259, %swap3A_260, %swap3A_261] : memref<1x4096x128xf32, #tpu.memory_space<vmem>>, vector<1x256x128xf32>
    %swap3A_263 = vector.shape_cast %swap3A_262 : vector<1x256x128xf32> to vector<256x128xf32>
    %swap3A_264 = vector.shape_cast %concatenate3A_258 : vector<256x128xf32> to vector<1x256x128xf32>
    tpu.vector_store %arg4[%swap3A_259, %swap3A_260, %swap3A_261], %swap3A_264 {strides = array<i32>} : memref<1x4096x128xf32, #tpu.memory_space<vmem>>, vector<1x256x128xf32>,
    %slice3A_265 = vector.extract_strided_slice %mul3A_10 {offsets = [1472, 0], sizes = [320, 64], strides = [1, 1]} : vector<4096x64xf32> to vector<320x64xf32>
    %slice3A_266 = vector.extract_strided_slice %concatenate3A {offsets = [1472, 0], sizes = [320, 65], strides = [1, 1]} : vector<4096x65xf32> to vector<320x65xf32>
    %slice3A_267 = vector.extract_strided_slice %concatenate3A_47 {offsets = [0, 1472], sizes = [1, 320], strides = [1, 1]} : vector<1x4096xf32> to vector<1x320xf32>
    %slice3A_268 = vector.extract_strided_slice %slice3A {offsets = [1536, 0], sizes = [256, 64], strides = [1, 1]} : vector<4096x64xf32> to vector<256x64xf32>
    %slice3A_269 = vector.extract_strided_slice %convert_element_type3A {offsets = [1536, 0], sizes = [256, 1], strides = [1, 1]} : vector<4096x1xf32> to vector<256x1xf32>
    %dot_general3A_270 = arith.constant dense<0.000000e+00> : vector<256x320xf32>
    %dot_general3A_271 = tpu.matmul %slice3A_268, %slice3A_265, %dot_general3A_270 {dimension_numbers = #tpu.dot_dimension_numbers<[1], [1], [0], [0], [0, 0, 1, 0], [], []>, transpose_lhs_hint = false} : vector<256x64xf32>, vector<320x64xf32>, vector<256x320xf32> -> vector<256x320xf32>
    %mul3A_272 = arith.constant 1.250000e-01 : f32
    %mul3A_273 = vector.broadcast %mul3A_272 : f32 to vector<256x320xf32>
    %mul3A_274 = arith.mulf %dot_general3A_271, %mul3A_273 : vector<256x320xf32>
    %ne3A_275 = vector.broadcast %slice3A_269 : vector<256x1xf32> to vector<256x320xf32>
    %ne3A_276 = vector.broadcast %slice3A_267 : vector<1x320xf32> to vector<256x320xf32>
    %ne3A_277 = arith.cmpf one, %ne3A_275, %ne3A_276 : vector<256x320xf32>
    %convert_element_type3A_278 = arith.extui %ne3A_277 : vector<256x320xi1> to vector<256x320xi32>
    %convert_element_type3A_279 = arith.sitofp %convert_element_type3A_278 : vector<256x320xi32> to vector<256x320xf32>
    %mul3A_280 = arith.mulf %get3A_50, %convert_element_type3A_279 : vector<256x320xf32>
    %exp3A_281 = math.exp %mul3A_274 : vector<256x320xf32>
    %mul3A_282 = arith.mulf %exp3A_281, %mul3A_280 : vector<256x320xf32>
    %dot_general3A_283 = arith.constant dense<0.000000e+00> : vector<256x65xf32>
    %dot_general3A_284 = tpu.matmul %mul3A_282, %slice3A_266, %dot_general3A_283 {dimension_numbers = #tpu.dot_dimension_numbers<[1], [0], [0], [1], [0, 0, 1, 1], [], []>, transpose_lhs_hint = false} : vector<256x320xf32>, vector<320x65xf32>, vector<256x65xf32> -> vector<256x65xf32>
    %slice3A_285 = vector.extract_strided_slice %dot_general3A_284 {offsets = [0, 64], sizes = [256, 1], strides = [1, 1]} : vector<256x65xf32> to vector<256x1xf32>
    %log3A_286 = math.log %slice3A_285 : vector<256x1xf32>
    %slice3A_287 = vector.extract_strided_slice %dot_general3A_284 {offsets = [0, 0], sizes = [256, 64], strides = [1, 1]} : vector<256x65xf32> to vector<256x64xf32>
    %div3A_288 = arith.constant 1.000000e+00 : f32
    %div3A_289 = vector.broadcast %div3A_288 : f32 to vector<256x1xf32>
    %div3A_290 = arith.divf %div3A_289, %slice3A_285 : vector<256x1xf32>
    %mul3A_291 = vector.broadcast %div3A_290 : vector<256x1xf32> to vector<256x64xf32>
    %mul3A_292 = arith.mulf %slice3A_287, %mul3A_291 : vector<256x64xf32>
    %concatenate3A_293 = tpu.concatenate %mul3A_292, %log3A_286, %broadcast_in_dim3A_52 in 1 : vector<256x64xf32>, vector<256x1xf32>, vector<256x63xf32> -> vector<256x128xf32>
    %swap3A_294 = arith.constant 0 : index
    %swap3A_295 = arith.constant 1536 : index
    %swap3A_296 = arith.constant 0 : index
    %swap3A_297 = vector.load %arg4[%swap3A_294, %swap3A_295, %swap3A_296] : memref<1x4096x128xf32, #tpu.memory_space<vmem>>, vector<1x256x128xf32>
    %swap3A_298 = vector.shape_cast %swap3A_297 : vector<1x256x128xf32> to vector<256x128xf32>
    %swap3A_299 = vector.shape_cast %concatenate3A_293 : vector<256x128xf32> to vector<1x256x128xf32>
    tpu.vector_store %arg4[%swap3A_294, %swap3A_295, %swap3A_296], %swap3A_299 {strides = array<i32>} : memref<1x4096x128xf32, #tpu.memory_space<vmem>>, vector<1x256x128xf32>,
    %slice3A_300 = vector.extract_strided_slice %mul3A_10 {offsets = [1728, 0], sizes = [320, 64], strides = [1, 1]} : vector<4096x64xf32> to vector<320x64xf32>
    %slice3A_301 = vector.extract_strided_slice %concatenate3A {offsets = [1728, 0], sizes = [320, 65], strides = [1, 1]} : vector<4096x65xf32> to vector<320x65xf32>
    %slice3A_302 = vector.extract_strided_slice %concatenate3A_47 {offsets = [0, 1728], sizes = [1, 320], strides = [1, 1]} : vector<1x4096xf32> to vector<1x320xf32>
    %slice3A_303 = vector.extract_strided_slice %slice3A {offsets = [1792, 0], sizes = [256, 64], strides = [1, 1]} : vector<4096x64xf32> to vector<256x64xf32>
    %slice3A_304 = vector.extract_strided_slice %convert_element_type3A {offsets = [1792, 0], sizes = [256, 1], strides = [1, 1]} : vector<4096x1xf32> to vector<256x1xf32>
    %dot_general3A_305 = arith.constant dense<0.000000e+00> : vector<256x320xf32>
    %dot_general3A_306 = tpu.matmul %slice3A_303, %slice3A_300, %dot_general3A_305 {dimension_numbers = #tpu.dot_dimension_numbers<[1], [1], [0], [0], [0, 0, 1, 0], [], []>, transpose_lhs_hint = false} : vector<256x64xf32>, vector<320x64xf32>, vector<256x320xf32> -> vector<256x320xf32>
    %mul3A_307 = arith.constant 1.250000e-01 : f32
    %mul3A_308 = vector.broadcast %mul3A_307 : f32 to vector<256x320xf32>
    %mul3A_309 = arith.mulf %dot_general3A_306, %mul3A_308 : vector<256x320xf32>
    %ne3A_310 = vector.broadcast %slice3A_304 : vector<256x1xf32> to vector<256x320xf32>
    %ne3A_311 = vector.broadcast %slice3A_302 : vector<1x320xf32> to vector<256x320xf32>
    %ne3A_312 = arith.cmpf one, %ne3A_310, %ne3A_311 : vector<256x320xf32>
    %convert_element_type3A_313 = arith.extui %ne3A_312 : vector<256x320xi1> to vector<256x320xi32>
    %convert_element_type3A_314 = arith.sitofp %convert_element_type3A_313 : vector<256x320xi32> to vector<256x320xf32>
    %mul3A_315 = arith.mulf %get3A_50, %convert_element_type3A_314 : vector<256x320xf32>
    %exp3A_316 = math.exp %mul3A_309 : vector<256x320xf32>
    %mul3A_317 = arith.mulf %exp3A_316, %mul3A_315 : vector<256x320xf32>
    %dot_general3A_318 = arith.constant dense<0.000000e+00> : vector<256x65xf32>
    %dot_general3A_319 = tpu.matmul %mul3A_317, %slice3A_301, %dot_general3A_318 {dimension_numbers = #tpu.dot_dimension_numbers<[1], [0], [0], [1], [0, 0, 1, 1], [], []>, transpose_lhs_hint = false} : vector<256x320xf32>, vector<320x65xf32>, vector<256x65xf32> -> vector<256x65xf32>
    %slice3A_320 = vector.extract_strided_slice %dot_general3A_319 {offsets = [0, 64], sizes = [256, 1], strides = [1, 1]} : vector<256x65xf32> to vector<256x1xf32>
    %log3A_321 = math.log %slice3A_320 : vector<256x1xf32>
    %slice3A_322 = vector.extract_strided_slice %dot_general3A_319 {offsets = [0, 0], sizes = [256, 64], strides = [1, 1]} : vector<256x65xf32> to vector<256x64xf32>
    %div3A_323 = arith.constant 1.000000e+00 : f32
    %div3A_324 = vector.broadcast %div3A_323 : f32 to vector<256x1xf32>
    %div3A_325 = arith.divf %div3A_324, %slice3A_320 : vector<256x1xf32>
    %mul3A_326 = vector.broadcast %div3A_325 : vector<256x1xf32> to vector<256x64xf32>
    %mul3A_327 = arith.mulf %slice3A_322, %mul3A_326 : vector<256x64xf32>
    %concatenate3A_328 = tpu.concatenate %mul3A_327, %log3A_321, %broadcast_in_dim3A_52 in 1 : vector<256x64xf32>, vector<256x1xf32>, vector<256x63xf32> -> vector<256x128xf32>
    %swap3A_329 = arith.constant 0 : index
    %swap3A_330 = arith.constant 1792 : index
    %swap3A_331 = arith.constant 0 : index
    %swap3A_332 = vector.load %arg4[%swap3A_329, %swap3A_330, %swap3A_331] : memref<1x4096x128xf32, #tpu.memory_space<vmem>>, vector<1x256x128xf32>
    %swap3A_333 = vector.shape_cast %swap3A_332 : vector<1x256x128xf32> to vector<256x128xf32>
    %swap3A_334 = vector.shape_cast %concatenate3A_328 : vector<256x128xf32> to vector<1x256x128xf32>
    tpu.vector_store %arg4[%swap3A_329, %swap3A_330, %swap3A_331], %swap3A_334 {strides = array<i32>} : memref<1x4096x128xf32, #tpu.memory_space<vmem>>, vector<1x256x128xf32>,
    %slice3A_335 = vector.extract_strided_slice %mul3A_10 {offsets = [1984, 0], sizes = [320, 64], strides = [1, 1]} : vector<4096x64xf32> to vector<320x64xf32>
    %slice3A_336 = vector.extract_strided_slice %concatenate3A {offsets = [1984, 0], sizes = [320, 65], strides = [1, 1]} : vector<4096x65xf32> to vector<320x65xf32>
    %slice3A_337 = vector.extract_strided_slice %concatenate3A_47 {offsets = [0, 1984], sizes = [1, 320], strides = [1, 1]} : vector<1x4096xf32> to vector<1x320xf32>
    %slice3A_338 = vector.extract_strided_slice %slice3A {offsets = [2048, 0], sizes = [256, 64], strides = [1, 1]} : vector<4096x64xf32> to vector<256x64xf32>
    %slice3A_339 = vector.extract_strided_slice %convert_element_type3A {offsets = [2048, 0], sizes = [256, 1], strides = [1, 1]} : vector<4096x1xf32> to vector<256x1xf32>
    %dot_general3A_340 = arith.constant dense<0.000000e+00> : vector<256x320xf32>
    %dot_general3A_341 = tpu.matmul %slice3A_338, %slice3A_335, %dot_general3A_340 {dimension_numbers = #tpu.dot_dimension_numbers<[1], [1], [0], [0], [0, 0, 1, 0], [], []>, transpose_lhs_hint = false} : vector<256x64xf32>, vector<320x64xf32>, vector<256x320xf32> -> vector<256x320xf32>
    %mul3A_342 = arith.constant 1.250000e-01 : f32
    %mul3A_343 = vector.broadcast %mul3A_342 : f32 to vector<256x320xf32>
    %mul3A_344 = arith.mulf %dot_general3A_341, %mul3A_343 : vector<256x320xf32>
    %ne3A_345 = vector.broadcast %slice3A_339 : vector<256x1xf32> to vector<256x320xf32>
    %ne3A_346 = vector.broadcast %slice3A_337 : vector<1x320xf32> to vector<256x320xf32>
    %ne3A_347 = arith.cmpf one, %ne3A_345, %ne3A_346 : vector<256x320xf32>
    %convert_element_type3A_348 = arith.extui %ne3A_347 : vector<256x320xi1> to vector<256x320xi32>
    %convert_element_type3A_349 = arith.sitofp %convert_element_type3A_348 : vector<256x320xi32> to vector<256x320xf32>
    %mul3A_350 = arith.mulf %get3A_50, %convert_element_type3A_349 : vector<256x320xf32>
    %exp3A_351 = math.exp %mul3A_344 : vector<256x320xf32>
    %mul3A_352 = arith.mulf %exp3A_351, %mul3A_350 : vector<256x320xf32>
    %dot_general3A_353 = arith.constant dense<0.000000e+00> : vector<256x65xf32>
    %dot_general3A_354 = tpu.matmul %mul3A_352, %slice3A_336, %dot_general3A_353 {dimension_numbers = #tpu.dot_dimension_numbers<[1], [0], [0], [1], [0, 0, 1, 1], [], []>, transpose_lhs_hint = false} : vector<256x320xf32>, vector<320x65xf32>, vector<256x65xf32> -> vector<256x65xf32>
    %slice3A_355 = vector.extract_strided_slice %dot_general3A_354 {offsets = [0, 64], sizes = [256, 1], strides = [1, 1]} : vector<256x65xf32> to vector<256x1xf32>
    %log3A_356 = math.log %slice3A_355 : vector<256x1xf32>
    %slice3A_357 = vector.extract_strided_slice %dot_general3A_354 {offsets = [0, 0], sizes = [256, 64], strides = [1, 1]} : vector<256x65xf32> to vector<256x64xf32>
    %div3A_358 = arith.constant 1.000000e+00 : f32
    %div3A_359 = vector.broadcast %div3A_358 : f32 to vector<256x1xf32>
    %div3A_360 = arith.divf %div3A_359, %slice3A_355 : vector<256x1xf32>
    %mul3A_361 = vector.broadcast %div3A_360 : vector<256x1xf32> to vector<256x64xf32>
    %mul3A_362 = arith.mulf %slice3A_357, %mul3A_361 : vector<256x64xf32>
    %concatenate3A_363 = tpu.concatenate %mul3A_362, %log3A_356, %broadcast_in_dim3A_52 in 1 : vector<256x64xf32>, vector<256x1xf32>, vector<256x63xf32> -> vector<256x128xf32>
    %swap3A_364 = arith.constant 0 : index
    %swap3A_365 = arith.constant 2048 : index
    %swap3A_366 = arith.constant 0 : index
    %swap3A_367 = vector.load %arg4[%swap3A_364, %swap3A_365, %swap3A_366] : memref<1x4096x128xf32, #tpu.memory_space<vmem>>, vector<1x256x128xf32>
    %swap3A_368 = vector.shape_cast %swap3A_367 : vector<1x256x128xf32> to vector<256x128xf32>
    %swap3A_369 = vector.shape_cast %concatenate3A_363 : vector<256x128xf32> to vector<1x256x128xf32>
    tpu.vector_store %arg4[%swap3A_364, %swap3A_365, %swap3A_366], %swap3A_369 {strides = array<i32>} : memref<1x4096x128xf32, #tpu.memory_space<vmem>>, vector<1x256x128xf32>,
    %slice3A_370 = vector.extract_strided_slice %mul3A_10 {offsets = [2240, 0], sizes = [320, 64], strides = [1, 1]} : vector<4096x64xf32> to vector<320x64xf32>
    %slice3A_371 = vector.extract_strided_slice %concatenate3A {offsets = [2240, 0], sizes = [320, 65], strides = [1, 1]} : vector<4096x65xf32> to vector<320x65xf32>
    %slice3A_372 = vector.extract_strided_slice %concatenate3A_47 {offsets = [0, 2240], sizes = [1, 320], strides = [1, 1]} : vector<1x4096xf32> to vector<1x320xf32>
    %slice3A_373 = vector.extract_strided_slice %slice3A {offsets = [2304, 0], sizes = [256, 64], strides = [1, 1]} : vector<4096x64xf32> to vector<256x64xf32>
    %slice3A_374 = vector.extract_strided_slice %convert_element_type3A {offsets = [2304, 0], sizes = [256, 1], strides = [1, 1]} : vector<4096x1xf32> to vector<256x1xf32>
    %dot_general3A_375 = arith.constant dense<0.000000e+00> : vector<256x320xf32>
    %dot_general3A_376 = tpu.matmul %slice3A_373, %slice3A_370, %dot_general3A_375 {dimension_numbers = #tpu.dot_dimension_numbers<[1], [1], [0], [0], [0, 0, 1, 0], [], []>, transpose_lhs_hint = false} : vector<256x64xf32>, vector<320x64xf32>, vector<256x320xf32> -> vector<256x320xf32>
    %mul3A_377 = arith.constant 1.250000e-01 : f32
    %mul3A_378 = vector.broadcast %mul3A_377 : f32 to vector<256x320xf32>
    %mul3A_379 = arith.mulf %dot_general3A_376, %mul3A_378 : vector<256x320xf32>
    %ne3A_380 = vector.broadcast %slice3A_374 : vector<256x1xf32> to vector<256x320xf32>
    %ne3A_381 = vector.broadcast %slice3A_372 : vector<1x320xf32> to vector<256x320xf32>
    %ne3A_382 = arith.cmpf one, %ne3A_380, %ne3A_381 : vector<256x320xf32>
    %convert_element_type3A_383 = arith.extui %ne3A_382 : vector<256x320xi1> to vector<256x320xi32>
    %convert_element_type3A_384 = arith.sitofp %convert_element_type3A_383 : vector<256x320xi32> to vector<256x320xf32>
    %mul3A_385 = arith.mulf %get3A_50, %convert_element_type3A_384 : vector<256x320xf32>
    %exp3A_386 = math.exp %mul3A_379 : vector<256x320xf32>
    %mul3A_387 = arith.mulf %exp3A_386, %mul3A_385 : vector<256x320xf32>
    %dot_general3A_388 = arith.constant dense<0.000000e+00> : vector<256x65xf32>
    %dot_general3A_389 = tpu.matmul %mul3A_387, %slice3A_371, %dot_general3A_388 {dimension_numbers = #tpu.dot_dimension_numbers<[1], [0], [0], [1], [0, 0, 1, 1], [], []>, transpose_lhs_hint = false} : vector<256x320xf32>, vector<320x65xf32>, vector<256x65xf32> -> vector<256x65xf32>
    %slice3A_390 = vector.extract_strided_slice %dot_general3A_389 {offsets = [0, 64], sizes = [256, 1], strides = [1, 1]} : vector<256x65xf32> to vector<256x1xf32>
    %log3A_391 = math.log %slice3A_390 : vector<256x1xf32>
    %slice3A_392 = vector.extract_strided_slice %dot_general3A_389 {offsets = [0, 0], sizes = [256, 64], strides = [1, 1]} : vector<256x65xf32> to vector<256x64xf32>
    %div3A_393 = arith.constant 1.000000e+00 : f32
    %div3A_394 = vector.broadcast %div3A_393 : f32 to vector<256x1xf32>
    %div3A_395 = arith.divf %div3A_394, %slice3A_390 : vector<256x1xf32>
    %mul3A_396 = vector.broadcast %div3A_395 : vector<256x1xf32> to vector<256x64xf32>
    %mul3A_397 = arith.mulf %slice3A_392, %mul3A_396 : vector<256x64xf32>
    %concatenate3A_398 = tpu.concatenate %mul3A_397, %log3A_391, %broadcast_in_dim3A_52 in 1 : vector<256x64xf32>, vector<256x1xf32>, vector<256x63xf32> -> vector<256x128xf32>
    %swap3A_399 = arith.constant 0 : index
    %swap3A_400 = arith.constant 2304 : index
    %swap3A_401 = arith.constant 0 : index
    %swap3A_402 = vector.load %arg4[%swap3A_399, %swap3A_400, %swap3A_401] : memref<1x4096x128xf32, #tpu.memory_space<vmem>>, vector<1x256x128xf32>
    %swap3A_403 = vector.shape_cast %swap3A_402 : vector<1x256x128xf32> to vector<256x128xf32>
    %swap3A_404 = vector.shape_cast %concatenate3A_398 : vector<256x128xf32> to vector<1x256x128xf32>
    tpu.vector_store %arg4[%swap3A_399, %swap3A_400, %swap3A_401], %swap3A_404 {strides = array<i32>} : memref<1x4096x128xf32, #tpu.memory_space<vmem>>, vector<1x256x128xf32>,
    %slice3A_405 = vector.extract_strided_slice %mul3A_10 {offsets = [2496, 0], sizes = [320, 64], strides = [1, 1]} : vector<4096x64xf32> to vector<320x64xf32>
    %slice3A_406 = vector.extract_strided_slice %concatenate3A {offsets = [2496, 0], sizes = [320, 65], strides = [1, 1]} : vector<4096x65xf32> to vector<320x65xf32>
    %slice3A_407 = vector.extract_strided_slice %concatenate3A_47 {offsets = [0, 2496], sizes = [1, 320], strides = [1, 1]} : vector<1x4096xf32> to vector<1x320xf32>
    %slice3A_408 = vector.extract_strided_slice %slice3A {offsets = [2560, 0], sizes = [256, 64], strides = [1, 1]} : vector<4096x64xf32> to vector<256x64xf32>
    %slice3A_409 = vector.extract_strided_slice %convert_element_type3A {offsets = [2560, 0], sizes = [256, 1], strides = [1, 1]} : vector<4096x1xf32> to vector<256x1xf32>
    %dot_general3A_410 = arith.constant dense<0.000000e+00> : vector<256x320xf32>
    %dot_general3A_411 = tpu.matmul %slice3A_408, %slice3A_405, %dot_general3A_410 {dimension_numbers = #tpu.dot_dimension_numbers<[1], [1], [0], [0], [0, 0, 1, 0], [], []>, transpose_lhs_hint = false} : vector<256x64xf32>, vector<320x64xf32>, vector<256x320xf32> -> vector<256x320xf32>
    %mul3A_412 = arith.constant 1.250000e-01 : f32
    %mul3A_413 = vector.broadcast %mul3A_412 : f32 to vector<256x320xf32>
    %mul3A_414 = arith.mulf %dot_general3A_411, %mul3A_413 : vector<256x320xf32>
    %ne3A_415 = vector.broadcast %slice3A_409 : vector<256x1xf32> to vector<256x320xf32>
    %ne3A_416 = vector.broadcast %slice3A_407 : vector<1x320xf32> to vector<256x320xf32>
    %ne3A_417 = arith.cmpf one, %ne3A_415, %ne3A_416 : vector<256x320xf32>
    %convert_element_type3A_418 = arith.extui %ne3A_417 : vector<256x320xi1> to vector<256x320xi32>
    %convert_element_type3A_419 = arith.sitofp %convert_element_type3A_418 : vector<256x320xi32> to vector<256x320xf32>
    %mul3A_420 = arith.mulf %get3A_50, %convert_element_type3A_419 : vector<256x320xf32>
    %exp3A_421 = math.exp %mul3A_414 : vector<256x320xf32>
    %mul3A_422 = arith.mulf %exp3A_421, %mul3A_420 : vector<256x320xf32>
    %dot_general3A_423 = arith.constant dense<0.000000e+00> : vector<256x65xf32>
    %dot_general3A_424 = tpu.matmul %mul3A_422, %slice3A_406, %dot_general3A_423 {dimension_numbers = #tpu.dot_dimension_numbers<[1], [0], [0], [1], [0, 0, 1, 1], [], []>, transpose_lhs_hint = false} : vector<256x320xf32>, vector<320x65xf32>, vector<256x65xf32> -> vector<256x65xf32>
    %slice3A_425 = vector.extract_strided_slice %dot_general3A_424 {offsets = [0, 64], sizes = [256, 1], strides = [1, 1]} : vector<256x65xf32> to vector<256x1xf32>
    %log3A_426 = math.log %slice3A_425 : vector<256x1xf32>
    %slice3A_427 = vector.extract_strided_slice %dot_general3A_424 {offsets = [0, 0], sizes = [256, 64], strides = [1, 1]} : vector<256x65xf32> to vector<256x64xf32>
    %div3A_428 = arith.constant 1.000000e+00 : f32
    %div3A_429 = vector.broadcast %div3A_428 : f32 to vector<256x1xf32>
    %div3A_430 = arith.divf %div3A_429, %slice3A_425 : vector<256x1xf32>
    %mul3A_431 = vector.broadcast %div3A_430 : vector<256x1xf32> to vector<256x64xf32>
    %mul3A_432 = arith.mulf %slice3A_427, %mul3A_431 : vector<256x64xf32>
    %concatenate3A_433 = tpu.concatenate %mul3A_432, %log3A_426, %broadcast_in_dim3A_52 in 1 : vector<256x64xf32>, vector<256x1xf32>, vector<256x63xf32> -> vector<256x128xf32>
    %swap3A_434 = arith.constant 0 : index
    %swap3A_435 = arith.constant 2560 : index
    %swap3A_436 = arith.constant 0 : index
    %swap3A_437 = vector.load %arg4[%swap3A_434, %swap3A_435, %swap3A_436] : memref<1x4096x128xf32, #tpu.memory_space<vmem>>, vector<1x256x128xf32>
    %swap3A_438 = vector.shape_cast %swap3A_437 : vector<1x256x128xf32> to vector<256x128xf32>
    %swap3A_439 = vector.shape_cast %concatenate3A_433 : vector<256x128xf32> to vector<1x256x128xf32>
    tpu.vector_store %arg4[%swap3A_434, %swap3A_435, %swap3A_436], %swap3A_439 {strides = array<i32>} : memref<1x4096x128xf32, #tpu.memory_space<vmem>>, vector<1x256x128xf32>,
    %slice3A_440 = vector.extract_strided_slice %mul3A_10 {offsets = [2752, 0], sizes = [320, 64], strides = [1, 1]} : vector<4096x64xf32> to vector<320x64xf32>
    %slice3A_441 = vector.extract_strided_slice %concatenate3A {offsets = [2752, 0], sizes = [320, 65], strides = [1, 1]} : vector<4096x65xf32> to vector<320x65xf32>
    %slice3A_442 = vector.extract_strided_slice %concatenate3A_47 {offsets = [0, 2752], sizes = [1, 320], strides = [1, 1]} : vector<1x4096xf32> to vector<1x320xf32>
    %slice3A_443 = vector.extract_strided_slice %slice3A {offsets = [2816, 0], sizes = [256, 64], strides = [1, 1]} : vector<4096x64xf32> to vector<256x64xf32>
    %slice3A_444 = vector.extract_strided_slice %convert_element_type3A {offsets = [2816, 0], sizes = [256, 1], strides = [1, 1]} : vector<4096x1xf32> to vector<256x1xf32>
    %dot_general3A_445 = arith.constant dense<0.000000e+00> : vector<256x320xf32>
    %dot_general3A_446 = tpu.matmul %slice3A_443, %slice3A_440, %dot_general3A_445 {dimension_numbers = #tpu.dot_dimension_numbers<[1], [1], [0], [0], [0, 0, 1, 0], [], []>, transpose_lhs_hint = false} : vector<256x64xf32>, vector<320x64xf32>, vector<256x320xf32> -> vector<256x320xf32>
    %mul3A_447 = arith.constant 1.250000e-01 : f32
    %mul3A_448 = vector.broadcast %mul3A_447 : f32 to vector<256x320xf32>
    %mul3A_449 = arith.mulf %dot_general3A_446, %mul3A_448 : vector<256x320xf32>
    %ne3A_450 = vector.broadcast %slice3A_444 : vector<256x1xf32> to vector<256x320xf32>
    %ne3A_451 = vector.broadcast %slice3A_442 : vector<1x320xf32> to vector<256x320xf32>
    %ne3A_452 = arith.cmpf one, %ne3A_450, %ne3A_451 : vector<256x320xf32>
    %convert_element_type3A_453 = arith.extui %ne3A_452 : vector<256x320xi1> to vector<256x320xi32>
    %convert_element_type3A_454 = arith.sitofp %convert_element_type3A_453 : vector<256x320xi32> to vector<256x320xf32>
    %mul3A_455 = arith.mulf %get3A_50, %convert_element_type3A_454 : vector<256x320xf32>
    %exp3A_456 = math.exp %mul3A_449 : vector<256x320xf32>
    %mul3A_457 = arith.mulf %exp3A_456, %mul3A_455 : vector<256x320xf32>
    %dot_general3A_458 = arith.constant dense<0.000000e+00> : vector<256x65xf32>
    %dot_general3A_459 = tpu.matmul %mul3A_457, %slice3A_441, %dot_general3A_458 {dimension_numbers = #tpu.dot_dimension_numbers<[1], [0], [0], [1], [0, 0, 1, 1], [], []>, transpose_lhs_hint = false} : vector<256x320xf32>, vector<320x65xf32>, vector<256x65xf32> -> vector<256x65xf32>
    %slice3A_460 = vector.extract_strided_slice %dot_general3A_459 {offsets = [0, 64], sizes = [256, 1], strides = [1, 1]} : vector<256x65xf32> to vector<256x1xf32>
    %log3A_461 = math.log %slice3A_460 : vector<256x1xf32>
    %slice3A_462 = vector.extract_strided_slice %dot_general3A_459 {offsets = [0, 0], sizes = [256, 64], strides = [1, 1]} : vector<256x65xf32> to vector<256x64xf32>
    %div3A_463 = arith.constant 1.000000e+00 : f32
    %div3A_464 = vector.broadcast %div3A_463 : f32 to vector<256x1xf32>
    %div3A_465 = arith.divf %div3A_464, %slice3A_460 : vector<256x1xf32>
    %mul3A_466 = vector.broadcast %div3A_465 : vector<256x1xf32> to vector<256x64xf32>
    %mul3A_467 = arith.mulf %slice3A_462, %mul3A_466 : vector<256x64xf32>
    %concatenate3A_468 = tpu.concatenate %mul3A_467, %log3A_461, %broadcast_in_dim3A_52 in 1 : vector<256x64xf32>, vector<256x1xf32>, vector<256x63xf32> -> vector<256x128xf32>
    %swap3A_469 = arith.constant 0 : index
    %swap3A_470 = arith.constant 2816 : index
    %swap3A_471 = arith.constant 0 : index
    %swap3A_472 = vector.load %arg4[%swap3A_469, %swap3A_470, %swap3A_471] : memref<1x4096x128xf32, #tpu.memory_space<vmem>>, vector<1x256x128xf32>
    %swap3A_473 = vector.shape_cast %swap3A_472 : vector<1x256x128xf32> to vector<256x128xf32>
    %swap3A_474 = vector.shape_cast %concatenate3A_468 : vector<256x128xf32> to vector<1x256x128xf32>
    tpu.vector_store %arg4[%swap3A_469, %swap3A_470, %swap3A_471], %swap3A_474 {strides = array<i32>} : memref<1x4096x128xf32, #tpu.memory_space<vmem>>, vector<1x256x128xf32>,
    %slice3A_475 = vector.extract_strided_slice %mul3A_10 {offsets = [3008, 0], sizes = [320, 64], strides = [1, 1]} : vector<4096x64xf32> to vector<320x64xf32>
    %slice3A_476 = vector.extract_strided_slice %concatenate3A {offsets = [3008, 0], sizes = [320, 65], strides = [1, 1]} : vector<4096x65xf32> to vector<320x65xf32>
    %slice3A_477 = vector.extract_strided_slice %concatenate3A_47 {offsets = [0, 3008], sizes = [1, 320], strides = [1, 1]} : vector<1x4096xf32> to vector<1x320xf32>
    %slice3A_478 = vector.extract_strided_slice %slice3A {offsets = [3072, 0], sizes = [256, 64], strides = [1, 1]} : vector<4096x64xf32> to vector<256x64xf32>
    %slice3A_479 = vector.extract_strided_slice %convert_element_type3A {offsets = [3072, 0], sizes = [256, 1], strides = [1, 1]} : vector<4096x1xf32> to vector<256x1xf32>
    %dot_general3A_480 = arith.constant dense<0.000000e+00> : vector<256x320xf32>
    %dot_general3A_481 = tpu.matmul %slice3A_478, %slice3A_475, %dot_general3A_480 {dimension_numbers = #tpu.dot_dimension_numbers<[1], [1], [0], [0], [0, 0, 1, 0], [], []>, transpose_lhs_hint = false} : vector<256x64xf32>, vector<320x64xf32>, vector<256x320xf32> -> vector<256x320xf32>
    %mul3A_482 = arith.constant 1.250000e-01 : f32
    %mul3A_483 = vector.broadcast %mul3A_482 : f32 to vector<256x320xf32>
    %mul3A_484 = arith.mulf %dot_general3A_481, %mul3A_483 : vector<256x320xf32>
    %ne3A_485 = vector.broadcast %slice3A_479 : vector<256x1xf32> to vector<256x320xf32>
    %ne3A_486 = vector.broadcast %slice3A_477 : vector<1x320xf32> to vector<256x320xf32>
    %ne3A_487 = arith.cmpf one, %ne3A_485, %ne3A_486 : vector<256x320xf32>
    %convert_element_type3A_488 = arith.extui %ne3A_487 : vector<256x320xi1> to vector<256x320xi32>
    %convert_element_type3A_489 = arith.sitofp %convert_element_type3A_488 : vector<256x320xi32> to vector<256x320xf32>
    %mul3A_490 = arith.mulf %get3A_50, %convert_element_type3A_489 : vector<256x320xf32>
    %exp3A_491 = math.exp %mul3A_484 : vector<256x320xf32>
    %mul3A_492 = arith.mulf %exp3A_491, %mul3A_490 : vector<256x320xf32>
    %dot_general3A_493 = arith.constant dense<0.000000e+00> : vector<256x65xf32>
    %dot_general3A_494 = tpu.matmul %mul3A_492, %slice3A_476, %dot_general3A_493 {dimension_numbers = #tpu.dot_dimension_numbers<[1], [0], [0], [1], [0, 0, 1, 1], [], []>, transpose_lhs_hint = false} : vector<256x320xf32>, vector<320x65xf32>, vector<256x65xf32> -> vector<256x65xf32>
    %slice3A_495 = vector.extract_strided_slice %dot_general3A_494 {offsets = [0, 64], sizes = [256, 1], strides = [1, 1]} : vector<256x65xf32> to vector<256x1xf32>
    %log3A_496 = math.log %slice3A_495 : vector<256x1xf32>
    %slice3A_497 = vector.extract_strided_slice %dot_general3A_494 {offsets = [0, 0], sizes = [256, 64], strides = [1, 1]} : vector<256x65xf32> to vector<256x64xf32>
    %div3A_498 = arith.constant 1.000000e+00 : f32
    %div3A_499 = vector.broadcast %div3A_498 : f32 to vector<256x1xf32>
    %div3A_500 = arith.divf %div3A_499, %slice3A_495 : vector<256x1xf32>
    %mul3A_501 = vector.broadcast %div3A_500 : vector<256x1xf32> to vector<256x64xf32>
    %mul3A_502 = arith.mulf %slice3A_497, %mul3A_501 : vector<256x64xf32>
    %concatenate3A_503 = tpu.concatenate %mul3A_502, %log3A_496, %broadcast_in_dim3A_52 in 1 : vector<256x64xf32>, vector<256x1xf32>, vector<256x63xf32> -> vector<256x128xf32>
    %swap3A_504 = arith.constant 0 : index
    %swap3A_505 = arith.constant 3072 : index
    %swap3A_506 = arith.constant 0 : index
    %swap3A_507 = vector.load %arg4[%swap3A_504, %swap3A_505, %swap3A_506] : memref<1x4096x128xf32, #tpu.memory_space<vmem>>, vector<1x256x128xf32>
    %swap3A_508 = vector.shape_cast %swap3A_507 : vector<1x256x128xf32> to vector<256x128xf32>
    %swap3A_509 = vector.shape_cast %concatenate3A_503 : vector<256x128xf32> to vector<1x256x128xf32>
    tpu.vector_store %arg4[%swap3A_504, %swap3A_505, %swap3A_506], %swap3A_509 {strides = array<i32>} : memref<1x4096x128xf32, #tpu.memory_space<vmem>>, vector<1x256x128xf32>,
    %slice3A_510 = vector.extract_strided_slice %mul3A_10 {offsets = [3264, 0], sizes = [320, 64], strides = [1, 1]} : vector<4096x64xf32> to vector<320x64xf32>
    %slice3A_511 = vector.extract_strided_slice %concatenate3A {offsets = [3264, 0], sizes = [320, 65], strides = [1, 1]} : vector<4096x65xf32> to vector<320x65xf32>
    %slice3A_512 = vector.extract_strided_slice %concatenate3A_47 {offsets = [0, 3264], sizes = [1, 320], strides = [1, 1]} : vector<1x4096xf32> to vector<1x320xf32>
    %slice3A_513 = vector.extract_strided_slice %slice3A {offsets = [3328, 0], sizes = [256, 64], strides = [1, 1]} : vector<4096x64xf32> to vector<256x64xf32>
    %slice3A_514 = vector.extract_strided_slice %convert_element_type3A {offsets = [3328, 0], sizes = [256, 1], strides = [1, 1]} : vector<4096x1xf32> to vector<256x1xf32>
    %dot_general3A_515 = arith.constant dense<0.000000e+00> : vector<256x320xf32>
    %dot_general3A_516 = tpu.matmul %slice3A_513, %slice3A_510, %dot_general3A_515 {dimension_numbers = #tpu.dot_dimension_numbers<[1], [1], [0], [0], [0, 0, 1, 0], [], []>, transpose_lhs_hint = false} : vector<256x64xf32>, vector<320x64xf32>, vector<256x320xf32> -> vector<256x320xf32>
    %mul3A_517 = arith.constant 1.250000e-01 : f32
    %mul3A_518 = vector.broadcast %mul3A_517 : f32 to vector<256x320xf32>
    %mul3A_519 = arith.mulf %dot_general3A_516, %mul3A_518 : vector<256x320xf32>
    %ne3A_520 = vector.broadcast %slice3A_514 : vector<256x1xf32> to vector<256x320xf32>
    %ne3A_521 = vector.broadcast %slice3A_512 : vector<1x320xf32> to vector<256x320xf32>
    %ne3A_522 = arith.cmpf one, %ne3A_520, %ne3A_521 : vector<256x320xf32>
    %convert_element_type3A_523 = arith.extui %ne3A_522 : vector<256x320xi1> to vector<256x320xi32>
    %convert_element_type3A_524 = arith.sitofp %convert_element_type3A_523 : vector<256x320xi32> to vector<256x320xf32>
    %mul3A_525 = arith.mulf %get3A_50, %convert_element_type3A_524 : vector<256x320xf32>
    %exp3A_526 = math.exp %mul3A_519 : vector<256x320xf32>
    %mul3A_527 = arith.mulf %exp3A_526, %mul3A_525 : vector<256x320xf32>
    %dot_general3A_528 = arith.constant dense<0.000000e+00> : vector<256x65xf32>
    %dot_general3A_529 = tpu.matmul %mul3A_527, %slice3A_511, %dot_general3A_528 {dimension_numbers = #tpu.dot_dimension_numbers<[1], [0], [0], [1], [0, 0, 1, 1], [], []>, transpose_lhs_hint = false} : vector<256x320xf32>, vector<320x65xf32>, vector<256x65xf32> -> vector<256x65xf32>
    %slice3A_530 = vector.extract_strided_slice %dot_general3A_529 {offsets = [0, 64], sizes = [256, 1], strides = [1, 1]} : vector<256x65xf32> to vector<256x1xf32>
    %log3A_531 = math.log %slice3A_530 : vector<256x1xf32>
    %slice3A_532 = vector.extract_strided_slice %dot_general3A_529 {offsets = [0, 0], sizes = [256, 64], strides = [1, 1]} : vector<256x65xf32> to vector<256x64xf32>
    %div3A_533 = arith.constant 1.000000e+00 : f32
    %div3A_534 = vector.broadcast %div3A_533 : f32 to vector<256x1xf32>
    %div3A_535 = arith.divf %div3A_534, %slice3A_530 : vector<256x1xf32>
    %mul3A_536 = vector.broadcast %div3A_535 : vector<256x1xf32> to vector<256x64xf32>
    %mul3A_537 = arith.mulf %slice3A_532, %mul3A_536 : vector<256x64xf32>
    %concatenate3A_538 = tpu.concatenate %mul3A_537, %log3A_531, %broadcast_in_dim3A_52 in 1 : vector<256x64xf32>, vector<256x1xf32>, vector<256x63xf32> -> vector<256x128xf32>
    %swap3A_539 = arith.constant 0 : index
    %swap3A_540 = arith.constant 3328 : index
    %swap3A_541 = arith.constant 0 : index
    %swap3A_542 = vector.load %arg4[%swap3A_539, %swap3A_540, %swap3A_541] : memref<1x4096x128xf32, #tpu.memory_space<vmem>>, vector<1x256x128xf32>
    %swap3A_543 = vector.shape_cast %swap3A_542 : vector<1x256x128xf32> to vector<256x128xf32>
    %swap3A_544 = vector.shape_cast %concatenate3A_538 : vector<256x128xf32> to vector<1x256x128xf32>
    tpu.vector_store %arg4[%swap3A_539, %swap3A_540, %swap3A_541], %swap3A_544 {strides = array<i32>} : memref<1x4096x128xf32, #tpu.memory_space<vmem>>, vector<1x256x128xf32>,
    %slice3A_545 = vector.extract_strided_slice %mul3A_10 {offsets = [3520, 0], sizes = [320, 64], strides = [1, 1]} : vector<4096x64xf32> to vector<320x64xf32>
    %slice3A_546 = vector.extract_strided_slice %concatenate3A {offsets = [3520, 0], sizes = [320, 65], strides = [1, 1]} : vector<4096x65xf32> to vector<320x65xf32>
    %slice3A_547 = vector.extract_strided_slice %concatenate3A_47 {offsets = [0, 3520], sizes = [1, 320], strides = [1, 1]} : vector<1x4096xf32> to vector<1x320xf32>
    %slice3A_548 = vector.extract_strided_slice %slice3A {offsets = [3584, 0], sizes = [256, 64], strides = [1, 1]} : vector<4096x64xf32> to vector<256x64xf32>
    %slice3A_549 = vector.extract_strided_slice %convert_element_type3A {offsets = [3584, 0], sizes = [256, 1], strides = [1, 1]} : vector<4096x1xf32> to vector<256x1xf32>
    %dot_general3A_550 = arith.constant dense<0.000000e+00> : vector<256x320xf32>
    %dot_general3A_551 = tpu.matmul %slice3A_548, %slice3A_545, %dot_general3A_550 {dimension_numbers = #tpu.dot_dimension_numbers<[1], [1], [0], [0], [0, 0, 1, 0], [], []>, transpose_lhs_hint = false} : vector<256x64xf32>, vector<320x64xf32>, vector<256x320xf32> -> vector<256x320xf32>
    %mul3A_552 = arith.constant 1.250000e-01 : f32
    %mul3A_553 = vector.broadcast %mul3A_552 : f32 to vector<256x320xf32>
    %mul3A_554 = arith.mulf %dot_general3A_551, %mul3A_553 : vector<256x320xf32>
    %ne3A_555 = vector.broadcast %slice3A_549 : vector<256x1xf32> to vector<256x320xf32>
    %ne3A_556 = vector.broadcast %slice3A_547 : vector<1x320xf32> to vector<256x320xf32>
    %ne3A_557 = arith.cmpf one, %ne3A_555, %ne3A_556 : vector<256x320xf32>
    %convert_element_type3A_558 = arith.extui %ne3A_557 : vector<256x320xi1> to vector<256x320xi32>
    %convert_element_type3A_559 = arith.sitofp %convert_element_type3A_558 : vector<256x320xi32> to vector<256x320xf32>
    %mul3A_560 = arith.mulf %get3A_50, %convert_element_type3A_559 : vector<256x320xf32>
    %exp3A_561 = math.exp %mul3A_554 : vector<256x320xf32>
    %mul3A_562 = arith.mulf %exp3A_561, %mul3A_560 : vector<256x320xf32>
    %dot_general3A_563 = arith.constant dense<0.000000e+00> : vector<256x65xf32>
    %dot_general3A_564 = tpu.matmul %mul3A_562, %slice3A_546, %dot_general3A_563 {dimension_numbers = #tpu.dot_dimension_numbers<[1], [0], [0], [1], [0, 0, 1, 1], [], []>, transpose_lhs_hint = false} : vector<256x320xf32>, vector<320x65xf32>, vector<256x65xf32> -> vector<256x65xf32>
    %slice3A_565 = vector.extract_strided_slice %dot_general3A_564 {offsets = [0, 64], sizes = [256, 1], strides = [1, 1]} : vector<256x65xf32> to vector<256x1xf32>
    %log3A_566 = math.log %slice3A_565 : vector<256x1xf32>
    %slice3A_567 = vector.extract_strided_slice %dot_general3A_564 {offsets = [0, 0], sizes = [256, 64], strides = [1, 1]} : vector<256x65xf32> to vector<256x64xf32>
    %div3A_568 = arith.constant 1.000000e+00 : f32
    %div3A_569 = vector.broadcast %div3A_568 : f32 to vector<256x1xf32>
    %div3A_570 = arith.divf %div3A_569, %slice3A_565 : vector<256x1xf32>
    %mul3A_571 = vector.broadcast %div3A_570 : vector<256x1xf32> to vector<256x64xf32>
    %mul3A_572 = arith.mulf %slice3A_567, %mul3A_571 : vector<256x64xf32>
    %concatenate3A_573 = tpu.concatenate %mul3A_572, %log3A_566, %broadcast_in_dim3A_52 in 1 : vector<256x64xf32>, vector<256x1xf32>, vector<256x63xf32> -> vector<256x128xf32>
    %swap3A_574 = arith.constant 0 : index
    %swap3A_575 = arith.constant 3584 : index
    %swap3A_576 = arith.constant 0 : index
    %swap3A_577 = vector.load %arg4[%swap3A_574, %swap3A_575, %swap3A_576] : memref<1x4096x128xf32, #tpu.memory_space<vmem>>, vector<1x256x128xf32>
    %swap3A_578 = vector.shape_cast %swap3A_577 : vector<1x256x128xf32> to vector<256x128xf32>
    %swap3A_579 = vector.shape_cast %concatenate3A_573 : vector<256x128xf32> to vector<1x256x128xf32>
    tpu.vector_store %arg4[%swap3A_574, %swap3A_575, %swap3A_576], %swap3A_579 {strides = array<i32>} : memref<1x4096x128xf32, #tpu.memory_space<vmem>>, vector<1x256x128xf32>,
    %slice3A_580 = vector.extract_strided_slice %mul3A_10 {offsets = [3776, 0], sizes = [320, 64], strides = [1, 1]} : vector<4096x64xf32> to vector<320x64xf32>
    %slice3A_581 = vector.extract_strided_slice %concatenate3A {offsets = [3776, 0], sizes = [320, 65], strides = [1, 1]} : vector<4096x65xf32> to vector<320x65xf32>
    %slice3A_582 = vector.extract_strided_slice %concatenate3A_47 {offsets = [0, 3776], sizes = [1, 320], strides = [1, 1]} : vector<1x4096xf32> to vector<1x320xf32>
    %slice3A_583 = vector.extract_strided_slice %slice3A {offsets = [3840, 0], sizes = [256, 64], strides = [1, 1]} : vector<4096x64xf32> to vector<256x64xf32>
    %slice3A_584 = vector.extract_strided_slice %convert_element_type3A {offsets = [3840, 0], sizes = [256, 1], strides = [1, 1]} : vector<4096x1xf32> to vector<256x1xf32>
    %dot_general3A_585 = arith.constant dense<0.000000e+00> : vector<256x320xf32>
    %dot_general3A_586 = tpu.matmul %slice3A_583, %slice3A_580, %dot_general3A_585 {dimension_numbers = #tpu.dot_dimension_numbers<[1], [1], [0], [0], [0, 0, 1, 0], [], []>, transpose_lhs_hint = false} : vector<256x64xf32>, vector<320x64xf32>, vector<256x320xf32> -> vector<256x320xf32>
    %mul3A_587 = arith.constant 1.250000e-01 : f32
    %mul3A_588 = vector.broadcast %mul3A_587 : f32 to vector<256x320xf32>
    %mul3A_589 = arith.mulf %dot_general3A_586, %mul3A_588 : vector<256x320xf32>
    %ne3A_590 = vector.broadcast %slice3A_584 : vector<256x1xf32> to vector<256x320xf32>
    %ne3A_591 = vector.broadcast %slice3A_582 : vector<1x320xf32> to vector<256x320xf32>
    %ne3A_592 = arith.cmpf one, %ne3A_590, %ne3A_591 : vector<256x320xf32>
    %convert_element_type3A_593 = arith.extui %ne3A_592 : vector<256x320xi1> to vector<256x320xi32>
    %convert_element_type3A_594 = arith.sitofp %convert_element_type3A_593 : vector<256x320xi32> to vector<256x320xf32>
    %mul3A_595 = arith.mulf %get3A_50, %convert_element_type3A_594 : vector<256x320xf32>
    %exp3A_596 = math.exp %mul3A_589 : vector<256x320xf32>
    %mul3A_597 = arith.mulf %exp3A_596, %mul3A_595 : vector<256x320xf32>
    %dot_general3A_598 = arith.constant dense<0.000000e+00> : vector<256x65xf32>
    %dot_general3A_599 = tpu.matmul %mul3A_597, %slice3A_581, %dot_general3A_598 {dimension_numbers = #tpu.dot_dimension_numbers<[1], [0], [0], [1], [0, 0, 1, 1], [], []>, transpose_lhs_hint = false} : vector<256x320xf32>, vector<320x65xf32>, vector<256x65xf32> -> vector<256x65xf32>
    %slice3A_600 = vector.extract_strided_slice %dot_general3A_599 {offsets = [0, 64], sizes = [256, 1], strides = [1, 1]} : vector<256x65xf32> to vector<256x1xf32>
    %log3A_601 = math.log %slice3A_600 : vector<256x1xf32>
    %slice3A_602 = vector.extract_strided_slice %dot_general3A_599 {offsets = [0, 0], sizes = [256, 64], strides = [1, 1]} : vector<256x65xf32> to vector<256x64xf32>
    %div3A_603 = arith.constant 1.000000e+00 : f32
    %div3A_604 = vector.broadcast %div3A_603 : f32 to vector<256x1xf32>
    %div3A_605 = arith.divf %div3A_604, %slice3A_600 : vector<256x1xf32>
    %mul3A_606 = vector.broadcast %div3A_605 : vector<256x1xf32> to vector<256x64xf32>
    %mul3A_607 = arith.mulf %slice3A_602, %mul3A_606 : vector<256x64xf32>
    %concatenate3A_608 = tpu.concatenate %mul3A_607, %log3A_601, %broadcast_in_dim3A_52 in 1 : vector<256x64xf32>, vector<256x1xf32>, vector<256x63xf32> -> vector<256x128xf32>
    %swap3A_609 = arith.constant 0 : index
    %swap3A_610 = arith.constant 3840 : index
    %swap3A_611 = arith.constant 0 : index
    %swap3A_612 = vector.load %arg4[%swap3A_609, %swap3A_610, %swap3A_611] : memref<1x4096x128xf32, #tpu.memory_space<vmem>>, vector<1x256x128xf32>
    %swap3A_613 = vector.shape_cast %swap3A_612 : vector<1x256x128xf32> to vector<256x128xf32>
    %swap3A_614 = vector.shape_cast %concatenate3A_608 : vector<256x128xf32> to vector<1x256x128xf32>
    tpu.vector_store %arg4[%swap3A_609, %swap3A_610, %swap3A_611], %swap3A_614 {strides = array<i32>} : memref<1x4096x128xf32, #tpu.memory_space<vmem>>, vector<1x256x128xf32>,
    return
  }
  func.func @transform_0(%arg0: i32) -> (i32, i32, i32) {
    %c0_i32 = arith.constant 0 : i32
    %c0_i32_0 = arith.constant 0 : i32
    %c0_i32_1 = arith.constant 0 : i32
    return %arg0, %c0_i32, %c0_i32_0 : i32, i32, i32
  }
  func.func @transform_1(%arg0: i32) -> (i32, i32) {
    %c0_i32 = arith.constant 0 : i32
    %c0_i32_0 = arith.constant 0 : i32
    %c0_i32_1 = arith.constant 0 : i32
    return %c0_i32, %c0_i32_0 : i32, i32
  }
  func.func @transform_2(%arg0: i32) -> (i32, i32) {
    %c0_i32 = arith.constant 0 : i32
    %c0_i32_0 = arith.constant 0 : i32
    %c0_i32_1 = arith.constant 0 : i32
    return %c0_i32, %c0_i32_0 : i32, i32
  }
  func.func @transform_3(%arg0: i32) -> (i32, i32, i32) {
    %c0_i32 = arith.constant 0 : i32
    %c0_i32_0 = arith.constant 0 : i32
    %c0_i32_1 = arith.constant 0 : i32
    return %arg0, %c0_i32, %c0_i32_0 : i32, i32, i32
  }
}

module attributes {stable_mosaic.version = 14 : i64} {
  func.func @_stage_d_body(%arg0: i32, %arg1: memref<1x4096x128xf32, #tpu.memory_space<vmem>>, %arg2: memref<1x1024x64xf32, #tpu.memory_space<vmem>>) attributes {dimension_semantics = [#tpu.dimension_semantics<arbitrary>], iteration_bounds = array<i64: 128>, scalar_prefetch = 0 : i64, scratch_operands = 0 : i64, tpu.core_type = #tpu.core_type<tc>, window_params = [{transform_indices = @transform_0, window_bounds = array<i64: 1, 4096, 128>}, {transform_indices = @transform_1, window_bounds = array<i64: 1, 1024, 64>}]} {
    %get3A = arith.constant 0 : index
    %get3A_0 = arith.constant 0 : index
    %get3A_1 = arith.constant 0 : index
    %get3A_2 = vector.load %arg1[%get3A, %get3A_0, %get3A_1] : memref<1x4096x128xf32, #tpu.memory_space<vmem>>, vector<1x1024x128xf32>
    %get3A_3 = vector.shape_cast %get3A_2 : vector<1x1024x128xf32> to vector<1024x128xf32>
    %slice3A = vector.extract_strided_slice %get3A_3 {offsets = [0, 0], sizes = [1024, 64], strides = [1, 1]} : vector<1024x128xf32> to vector<1024x64xf32>
    %slice3A_4 = vector.extract_strided_slice %get3A_3 {offsets = [0, 64], sizes = [1024, 1], strides = [1, 1]} : vector<1024x128xf32> to vector<1024x1xf32>
    %get3A_5 = arith.constant 0 : index
    %get3A_6 = arith.constant 1024 : index
    %get3A_7 = arith.constant 0 : index
    %get3A_8 = vector.load %arg1[%get3A_5, %get3A_6, %get3A_7] : memref<1x4096x128xf32, #tpu.memory_space<vmem>>, vector<1x1024x128xf32>
    %get3A_9 = vector.shape_cast %get3A_8 : vector<1x1024x128xf32> to vector<1024x128xf32>
    %slice3A_10 = vector.extract_strided_slice %get3A_9 {offsets = [0, 0], sizes = [1024, 64], strides = [1, 1]} : vector<1024x128xf32> to vector<1024x64xf32>
    %slice3A_11 = vector.extract_strided_slice %get3A_9 {offsets = [0, 64], sizes = [1024, 1], strides = [1, 1]} : vector<1024x128xf32> to vector<1024x1xf32>
    %get3A_12 = arith.constant 0 : index
    %get3A_13 = arith.constant 2048 : index
    %get3A_14 = arith.constant 0 : index
    %get3A_15 = vector.load %arg1[%get3A_12, %get3A_13, %get3A_14] : memref<1x4096x128xf32, #tpu.memory_space<vmem>>, vector<1x1024x128xf32>
    %get3A_16 = vector.shape_cast %get3A_15 : vector<1x1024x128xf32> to vector<1024x128xf32>
    %slice3A_17 = vector.extract_strided_slice %get3A_16 {offsets = [0, 0], sizes = [1024, 64], strides = [1, 1]} : vector<1024x128xf32> to vector<1024x64xf32>
    %slice3A_18 = vector.extract_strided_slice %get3A_16 {offsets = [0, 64], sizes = [1024, 1], strides = [1, 1]} : vector<1024x128xf32> to vector<1024x1xf32>
    %get3A_19 = arith.constant 0 : index
    %get3A_20 = arith.constant 3072 : index
    %get3A_21 = arith.constant 0 : index
    %get3A_22 = vector.load %arg1[%get3A_19, %get3A_20, %get3A_21] : memref<1x4096x128xf32, #tpu.memory_space<vmem>>, vector<1x1024x128xf32>
    %get3A_23 = vector.shape_cast %get3A_22 : vector<1x1024x128xf32> to vector<1024x128xf32>
    %slice3A_24 = vector.extract_strided_slice %get3A_23 {offsets = [0, 0], sizes = [1024, 64], strides = [1, 1]} : vector<1024x128xf32> to vector<1024x64xf32>
    %slice3A_25 = vector.extract_strided_slice %get3A_23 {offsets = [0, 64], sizes = [1024, 1], strides = [1, 1]} : vector<1024x128xf32> to vector<1024x1xf32>
    %concatenate3A = tpu.concatenate %slice3A_4, %slice3A_11, %slice3A_18, %slice3A_25 in 1 : vector<1024x1xf32>, vector<1024x1xf32>, vector<1024x1xf32>, vector<1024x1xf32> -> vector<1024x4xf32>
    %reduce_max3A = arith.constant dense<0xFF800000> : vector<1024xf32>
    %reduce_max3A_26 = vector.multi_reduction <maximumf>, %concatenate3A, %reduce_max3A [1] : vector<1024x4xf32> to vector<1024xf32>
    %broadcast_in_dim3A = vector.shape_cast %reduce_max3A_26 : vector<1024xf32> to vector<1024x1xf32>
    %sub3A = vector.broadcast %broadcast_in_dim3A : vector<1024x1xf32> to vector<1024x4xf32>
    %sub3A_27 = arith.subf %concatenate3A, %sub3A : vector<1024x4xf32>
    %exp3A = math.exp %sub3A_27 : vector<1024x4xf32>
    %reduce_sum3A = arith.constant dense<0.000000e+00> : vector<1024xf32>
    %reduce_sum3A_28 = vector.multi_reduction <add>, %exp3A, %reduce_sum3A [1] : vector<1024x4xf32> to vector<1024xf32>
    %broadcast_in_dim3A_29 = vector.shape_cast %reduce_sum3A_28 : vector<1024xf32> to vector<1024x1xf32>
    %broadcast_in_dim3A_30 = arith.constant 0.000000e+00 : f32
    %broadcast_in_dim3A_31 = vector.broadcast %broadcast_in_dim3A_30 : f32 to vector<1024x64xf32>
    %sub3A_32 = arith.subf %slice3A_4, %broadcast_in_dim3A : vector<1024x1xf32>
    %exp3A_33 = math.exp %sub3A_32 : vector<1024x1xf32>
    %div3A = arith.divf %exp3A_33, %broadcast_in_dim3A_29 : vector<1024x1xf32>
    %mul3A = vector.broadcast %div3A : vector<1024x1xf32> to vector<1024x64xf32>
    %mul3A_34 = arith.mulf %slice3A, %mul3A : vector<1024x64xf32>
    %add3A = arith.addf %broadcast_in_dim3A_31, %mul3A_34 : vector<1024x64xf32>
    %sub3A_35 = arith.subf %slice3A_11, %broadcast_in_dim3A : vector<1024x1xf32>
    %exp3A_36 = math.exp %sub3A_35 : vector<1024x1xf32>
    %div3A_37 = arith.divf %exp3A_36, %broadcast_in_dim3A_29 : vector<1024x1xf32>
    %mul3A_38 = vector.broadcast %div3A_37 : vector<1024x1xf32> to vector<1024x64xf32>
    %mul3A_39 = arith.mulf %slice3A_10, %mul3A_38 : vector<1024x64xf32>
    %add3A_40 = arith.addf %add3A, %mul3A_39 : vector<1024x64xf32>
    %sub3A_41 = arith.subf %slice3A_18, %broadcast_in_dim3A : vector<1024x1xf32>
    %exp3A_42 = math.exp %sub3A_41 : vector<1024x1xf32>
    %div3A_43 = arith.divf %exp3A_42, %broadcast_in_dim3A_29 : vector<1024x1xf32>
    %mul3A_44 = vector.broadcast %div3A_43 : vector<1024x1xf32> to vector<1024x64xf32>
    %mul3A_45 = arith.mulf %slice3A_17, %mul3A_44 : vector<1024x64xf32>
    %add3A_46 = arith.addf %add3A_40, %mul3A_45 : vector<1024x64xf32>
    %sub3A_47 = arith.subf %slice3A_25, %broadcast_in_dim3A : vector<1024x1xf32>
    %exp3A_48 = math.exp %sub3A_47 : vector<1024x1xf32>
    %div3A_49 = arith.divf %exp3A_48, %broadcast_in_dim3A_29 : vector<1024x1xf32>
    %mul3A_50 = vector.broadcast %div3A_49 : vector<1024x1xf32> to vector<1024x64xf32>
    %mul3A_51 = arith.mulf %slice3A_24, %mul3A_50 : vector<1024x64xf32>
    %add3A_52 = arith.addf %add3A_46, %mul3A_51 : vector<1024x64xf32>
    %swap3A = arith.constant 0 : index
    %swap3A_53 = arith.constant 0 : index
    %swap3A_54 = arith.constant 0 : index
    %swap3A_55 = vector.load %arg2[%swap3A, %swap3A_53, %swap3A_54] : memref<1x1024x64xf32, #tpu.memory_space<vmem>>, vector<1x1024x64xf32>
    %swap3A_56 = vector.shape_cast %swap3A_55 : vector<1x1024x64xf32> to vector<1024x64xf32>
    %swap3A_57 = vector.shape_cast %add3A_52 : vector<1024x64xf32> to vector<1x1024x64xf32>
    tpu.vector_store %arg2[%swap3A, %swap3A_53, %swap3A_54], %swap3A_57 {strides = array<i32>} : memref<1x1024x64xf32, #tpu.memory_space<vmem>>, vector<1x1024x64xf32>,
    return
  }
  func.func @transform_0(%arg0: i32) -> (i32, i32, i32) {
    %c0_i32 = arith.constant 0 : i32
    %c0_i32_0 = arith.constant 0 : i32
    %c0_i32_1 = arith.constant 0 : i32
    return %arg0, %c0_i32, %c0_i32_0 : i32, i32, i32
  }
  func.func @transform_1(%arg0: i32) -> (i32, i32, i32) {
    %c0_i32 = arith.constant 0 : i32
    %c0_i32_0 = arith.constant 0 : i32
    %c0_i32_1 = arith.constant 0 : i32
    return %arg0, %c0_i32, %c0_i32_0 : i32, i32, i32
  }
}

</mosaic_0001>

<sc_bundles>
// kernel: kernel.10.cloned.1.call-start
scs
__scs_entry_jumppad:
0x0: {  	(pc) =	sbr.rel $0x88, $3  }
0x1: {  	(tag) =	ssettag $0x0;
	lr =	simm.s32 $0x1  }
0x2: {  	[smem:$0x3F9E] =	sst lr;
	_ =	strace $0xD0000000  }
0x3: {  	_ = 	snop  }
0x4: {  	_ = 	snop  }
0x5: {  	_ = 	snop  }
0x6: {  	_ = 	snop  }
0x7: {  	_ = 	snop  }
__scs_overlays_trampoline_lowered:
0x8: {  	[smem:$0x3FAD] =	sst s0  }
0x9: {  	[smem:$0x3FAE] =	sst s1  }
0xa: {  	[smem:$0x3FAF] =	sst s2  }
0xb: {  	[smem:$0x3FB0] =	sst s3  }
0xc: {  	[smem:$0x3FB1] =	sst s4  }
0xd: {  	[smem:$0x3FB2] =	sst s5  }
0xe: {  	[smem:$0x3FB3] =	sst s6  }
0xf: {  	[smem:$0x3FB4] =	sst s7  }
0x10: {  	[smem:$0x3FB5] =	sst s8  }
0x11: {  	[smem:$0x3FB6] =	sst s9;
	s0 =	simm.s32 @!p0 $0x0  }
0x12: {  	s1 =	sld [smem:$0x3F9C];
	s0 =	simm.s32 @p0 $0x1  }
0x13: {  	[smem:$0x3FB7] =	sst s0;
	s0 =	simm.s32 @!p1 $0x0  }
0x14: {  	s2 =	sld [smem:$0x3F9B];
	s0 =	simm.s32 @p1 $0x1  }
0x15: {  	[smem:$0x3FB8] =	sst s0;
	s0 =	simm.s32 @!p2 $0x0  }
0x16: {  	s3 =	sld [smem:$0x3FDB];
	s0 =	simm.s32 @p2 $0x1  }
0x17: {  	s4 =	simm.s32 $0x1BF5;
	[smem:$0x3FBA] =	sst s0  }
0x18: {  	s0 =	sld [smem:$0x3F9D];
	_ =	swait.ge [sflag:s4], $0x0  }
0x19: {  	s7 =	sld [smem:$0x3F9E]  }
0x1a: {  	s8 =	sadd.s32 $0xFFFFE003, lr  }
0x1b: {  	s9 =	sadd.s32 $0xFFFFFEF7, lr;
	s5 =	simm.s32 $0xFFFFFFFF;
	p2 =	slt.u32 s8, $0xFFFFF086  }
0x1c: {  	p1 =	slt.u32 s9, $0xF7A;
	s5 =	simm.s32 @!p2 $0x0  }
0x1d: {  	s5 =	simm.s32 @p1 $0x1;
	p0 =	seq.s32 s7, s2  }
0x1e: {  	s7 =	smul.u32 @!p0 $0xF7A, s2;
	p2 =	seq.s32 @!p0 s5, $0x0  }
0x1f: {  	s9 =	smul.u32 $0xF7A, s1;
	s8 =	simm.s32 @!p0 $0x1BF5;
	p2 =	por !p2, p0  }
0x20: {  	[sflag:s8] =	ssyncset.s32 @!p0 $0xFFFFF086;
	s6 =	sadd.s32 @!p0 s3, s7;
	s7 =	simm.s32 @!p0 $0x108  }
0x21: {  	s3 =	sadd.s32 s3, s9;
	s6 =	sadd.s32 @!p0 $0x88, s6;
	s7 =	simm.s32 @p2 $0x1082  }
0x22: {  	[simem:s7], [sflag:s8] =	dma.local @!p0 [hbm:s6], $0xF7A  }
0x23: {  	s9 =	sor.u32 $0xD0000000, s2;
	s6 =	simm.s32 $0x108;
	_ =	swait.ge @!p0 [sflag:s8], $0x0  }
0x24: {  	s3 =	sadd.s32 $0x88, s3;
	s6 =	simm.s32 @!p1 $0x1082;
	[sflag:s4] =	ssyncset.s32 $0xFFFFF086  }
0x25: {  	[simem:s6], [sflag:s4] =	dma.local [hbm:s3], $0xF7A  }
0x26: {  	[smem:$0x3F9E] =	sst s1;
	(tag) =	ssettag s2;
	_ =	strace s9  }
0x27: {  	s1 =	sld [smem:$0x3FAE]  }
0x28: {  	s2 =	sld [smem:$0x3FAF]  }
0x29: {  	s4 =	sld [smem:$0x3FB1]  }
0x2a: {  	p0 =	seq.s32 s5, $0x0;
	s5 =	sld [smem:$0x3FB2]  }
0x2b: {  	s6 =	sld [smem:$0x3FB3]  }
0x2c: {  	s7 =	sld [smem:$0x3FB4]  }
0x2d: {  	s3 =	simm.s32 $0x108;
	s8 =	sld [smem:$0x3FB5]  }
0x2e: {  	s3 =	simm.s32 @!p0 $0x1082;
	s9 =	sld [smem:$0x3FB6]  }
0x2f: {  	lr =	sadd.s32 s0, s3;
	s0 =	sld [smem:$0x3FAD]  }
0x30: {  	s3 =	sld [smem:$0x3FB0]  }
0x31: {  	[smem:$0x3FB9] =	sst s10  }
0x32: {  	s10 =	sld [smem:$0x3FB7];
	_ =	sdelay $0x3  }
0x33: {  	p0 =	seq.s32 s10, $0x1;
	s10 =	sld [smem:$0x3FB9];
	_ =	sdelay $0x3  }
0x34: {  	[smem:$0x3FB9] =	sst s10  }
0x35: {  	s10 =	sld [smem:$0x3FB8];
	_ =	sdelay $0x3  }
0x36: {  	p1 =	seq.s32 s10, $0x1;
	s10 =	sld [smem:$0x3FB9];
	_ =	sdelay $0x3  }
0x37: {  	[smem:$0x3FB9] =	sst s10  }
0x38: {  	s10 =	sld [smem:$0x3FBA]  }
0x39: {  	_ = 	snop;
	(pc) =	sbr.ind lr, $3  }
0x3a: {  	_ = 	snop  }
0x3b: {  	_ = 	snop  }
0x3c: {  	p2 =	seq.s32 s10, $0x1;
	s10 =	sld [smem:$0x3FB9]  }
0x3d: {  	_ =	shalt  }
0x3e: {  	_ =	shalt  }
0x3f: {  	_ =	shalt  }
0x40: {  	_ =	shalt  }
0x41: {  	_ =	shalt  }
0x42: {  	_ =	shalt  }
0x43: {  	_ =	shalt  }
0x44: {  	_ =	shalt  }
0x45: {  	_ =	shalt  }
0x46: {  	_ =	shalt  }
0x47: {  	_ =	shalt  }
0x48: {  	_ =	shalt  }
0x49: {  	_ =	shalt  }
0x4a: {  	_ =	shalt  }
0x4b: {  	_ =	shalt  }
0x4c: {  	_ =	shalt  }
0x4d: {  	_ =	shalt  }
0x4e: {  	_ =	shalt  }
0x4f: {  	_ =	shalt  }
0x50: {  	_ =	shalt  }
0x51: {  	_ =	shalt  }
0x52: {  	_ =	shalt  }
0x53: {  	_ =	shalt  }
0x54: {  	_ =	shalt  }
0x55: {  	_ =	shalt  }
0x56: {  	_ =	shalt  }
0x57: {  	_ =	shalt  }
0x58: {  	_ =	shalt  }
0x59: {  	_ =	shalt  }
0x5a: {  	_ =	shalt  }
0x5b: {  	_ =	shalt  }
0x5c: {  	_ =	shalt  }
0x5d: {  	_ =	shalt  }
0x5e: {  	_ =	shalt  }
0x5f: {  	_ =	shalt  }
0x60: {  	_ =	shalt  }
0x61: {  	_ =	shalt  }
0x62: {  	_ =	shalt  }
0x63: {  	_ =	shalt  }
0x64: {  	_ =	shalt  }
0x65: {  	_ =	shalt  }
0x66: {  	_ =	shalt  }
0x67: {  	_ =	shalt  }
0x68: {  	_ =	shalt  }
0x69: {  	_ =	shalt  }
0x6a: {  	_ =	shalt  }
0x6b: {  	_ =	shalt  }
0x6c: {  	_ =	shalt  }
0x6d: {  	_ =	shalt  }
0x6e: {  	_ =	shalt  }
0x6f: {  	_ =	shalt  }
0x70: {  	_ =	shalt  }
0x71: {  	_ =	shalt  }
0x72: {  	_ =	shalt  }
0x73: {  	_ =	shalt  }
0x74: {  	_ =	shalt  }
0x75: {  	_ =	shalt  }
0x76: {  	_ =	shalt  }
0x77: {  	_ =	shalt  }
0x78: {  	_ =	shalt  }
0x79: {  	_ =	shalt  }
0x7a: {  	_ =	shalt  }
0x7b: {  	_ =	shalt  }
0x7c: {  	_ =	shalt  }
0x7d: {  	_ =	shalt  }
0x7e: {  	_ =	shalt  }
0x7f: {  	_ =	shalt  }
0x80: {  	_ =	shalt  }
0x81: {  	_ =	shalt  }
0x82: {  	_ =	shalt  }
0x83: {  	_ =	shalt  }
0x84: {  	_ =	shalt  }
0x85: {  	_ =	shalt  }
0x86: {  	_ =	shalt  }
0x87: {  	_ =	shalt  }
.Lfunc_end0:
.L_simem_size_0:
called_computation.3_lowered:
.L_overlay_start_0:
0x88: {  	s2 =	sld [smem:$0x3FD9]  }
0x89: {  	s3 =	sld [smem:$0x3FFE];
	_ =	sdelay $0x1  }
0x8a: {  	s1 =	srdreg.scid  }
0x8b: {  	s0 =	sand.u32 $0x1, s1  }
0x8c: {  	s17 =	sshll.u32 s0, $0xA;
	s2 =	sadd.s32 s3, s2  }
0x8d: {  	s2 =	sadd.s32 s2, s17  }
0x8e: {  	[smem:$0x3FC5] =	sst s2  }
0x8f: {  	_ = 	snop  }
0x90: {  	s2 =	sld [smem:$0x3FD0];
	(tm) =	ssettm $0x1  }
0x91: {  	s18 =	sld [smem:$0x3FFB];
	_ =	sdelay $0x3  }
0x92: {  	_ =	strace s18  }
0x93: {  	s3 =	sld [smem:$0x3FFC];
	_ =	sdelay $0x3  }
0x94: {  	_ =	strace s3  }
0x95: {  	s3 =	sld [smem:$0x3FFD];
	_ =	sdelay $0x3  }
0x96: {  	_ =	strace s3  }
0x97: {  	_ =	strace $0x8FFFFFFF  }
0x98: {  	s19 =	sld [smem:$0x3FDB];
	_ =	sdelay $0x1  }
0x99: {  	s4 =	simm.s32 $_scs_section_size  }
0x9a: {  	s5 =	simm.s32 $_size__tile_overlayer_lowered;
	s6 =	simm.s32 $_tile_overlayer_lowered  }
0x9b: {  	s22 =	simm.s32 $0x1BFF;
	s21 =	sshll.u32 s6, $0x1;
	s3 =	sadd.s32 s4, s19  }
0x9c: {  	s7 =	simm.s32 $0x0;
	s20 =	sshll.u32 s5, $0x1;
	s5 =	sadd.s32 s21, s3  }
0x9d: {  	[timem:s7], [sflag:s22] =	dma.local [hbm:s5], s20  }
0x9e: {  	_ =	swait.ge [sflag:s22], s20  }
0x9f: {  	s4 =	ssub.s32 $0x0, s20;
	[sflag:s22] =	ssyncset.done $0x0  }
0xa0: {  	[sflag:s22] =	ssyncadd.s32 s4;
	_ =	sdelay $0x1  }
0xa1: {  	s23 =	simm.s32 $0x1B8B  }
0xa2: {  	_ =	swait.ge [sflag:s23], $0x1  }
0xa3: {  	[sflag:s23] =	ssyncset.done $0x0  }
0xa4: {  	s25 =	simm.s32 $0x1B8E;
	s24 =	sld [smem:$0x3FFE];
	[sflag:s23] =	ssyncadd.s32 $0xFFFFFFFF  }
0xa5: {  	s26 =	simm.s32 $execute0_lowered;
	[smem:$0x3FD2] =	sst s25  }
0xa6: {  	s5 =	sshll.u32 s26, $0x1;
	_ =	strace $0x8000004C;
	[dreg:$0x1] =	wrdreg $0xFFFFFFFF  }
0xa7: {  	s28 =	simm.s32 $_size_execute0_lowered;
	s3 =	sadd.s32 s3, s5;
	[dreg:$0x0] =	wrdreg $0x0  }
0xa8: {  	s5 =	sshll.u32 s28, $0x1;
	[dreg:$0x2] =	wrdreg s3  }
0xa9: {  	[dreg:$0x3] =	wrdreg s5  }
0xaa: {  	[dreg:$0x4] =	wrdreg $0xC0  }
0xab: {  	_ =	task [dreg:s7], $0x5FFFF  }
0xac: {  	[dreg:$0x1] =	wrdreg $0xFFFFFFFF  }
0xad: {  	[dreg:$0x0] =	wrdreg $0x60  }
0xae: {  	[dreg:$0x2] =	wrdreg s24  }
0xaf: {  	[dreg:$0x3] =	wrdreg s2  }
0xb0: {  	[dreg:$0x4] =	wrdreg $0x9  }
0xb1: {  	_ =	task.clear_ibuf [dreg:s7], $0x5FFFF;
	_ =	strace $0x9000004C  }
0xb2: {  	s29 =	simm.s32 $0x9;
	_ =	strace $0x8000004E  }
0xb3: {  	_ =	swait.ge [sflag:s29], $0x1  }
0xb4: {  	[sflag:s29] =	ssyncadd.s32 $0xFFFFFFFF  }
0xb5: {  	_ =	strace $0x9000004E  }
0xb6: {  	_ =	sfence  }
0xb7: {  	s30 =	sld [smem:$0x0];
	_ =	sdelay $0x2  }
0xb8: {  	s31 =	sshll.u32 s1, $0xD;
	s1 =	sshrl.u32 s1, $0x2  }
0xb9: {  	s3 =	sand.u32 $0x4000, s31;
	s1 =	sadd.s32 s1, s30  }
0xba: {  	s0 =	sor.u32 s3, s0;
	s1 =	sshll.u32 s1, $0x11  }
0xbb: {  	s0 =	sor.u32 s1, s0  }
0xbc: {  	s0 =	sadd.s32 $0x8F2B, s0  }
0xbd: {  	[sflag:s0] =	ssyncadd.remote.s32 $0x1  }
0xbe: {  	_ =	sfence.sel $0xFFFF  }
0xbf: {  	[dreg:$0x0] =	wrdreg $0xFFFFFFFF;
	(pc) =	sbr.abs _section_cstart, $3  }
0xc0: {  	[dreg:$0x1] =	wrdreg $0xFFFFFFFF  }
0xc1: {  	_ =	task.clear_ibuf [dreg:s7], $0x2FFFF;
	_ =	strace $0x9FFFFFFF  }
0xc2: {  	(tm) =	ssettm $0x7FFFFFFF  }
0xc3: {  	_ =	shalt  }
tec
execute0_lowered:
.L_overlay_start_1:
0x0: {  	(tag) =	ssettag $0x1  }
0x1: {  	s4 =	rddreg [dreg:$0x0]  }
0x2: {  	s5 =	rddreg [dreg:$0x1]  }
0x3: {  	s0 =	rddreg [dreg:$0x2]  }
0x4: {  	s2 =	simm.s32 $0x0;
	s3 =	srdreg.scid;
	s1 =	stileid.u32  }
0x5: {  	s10 =	simm.s32 $0x1;
	s11 =	simm.s32 $0x0;
	[smem:$0x7FF] =	sst s2  }
0x6: {  	s6 =	sand.u32 $0x1, s3;
	s3 =	sadd.s32 $0x801A00, s4;
	s7 =	sshll.u32 s1, $0x13  }
0x7: {  	s9 =	sshll.u32 s1, $0xC;
	_ =	strace $0x8000004D;
	s8 =	ssub.s32 $0x2, s6  }
0x8: {  	s7 =	sadd.s32 s7, s4;
	s4 =	sshll.u32 s6, $0x2;
	s31 =	sshrl.u32 s8, $0x1  }
0x9: {  	s5 =	sadd.s32 s5, s9;
	s9 =	simm.s32 $0x80;
	s8 =	ssub.s32 s8, s31  }
0xa: {  	s6 =	sadd.s32 $0x1A00, s7;
	s7 =	smax.u32 s8, $0x1;
	s8 =	simm.s32 $0x2  }
.LBB2_1:
0xb: {  	s12 =	sand.u32 $0x1F, s2  }
0xc: {  	s15 =	sadd.s32 $0x0, s4;
	s13 =	sshll.u32 s12, $0x7  }
0xd: {  	s14 =	sshll.u32 s15, $0x4;
	s13 =	sadd.s32 s13, s5  }
0xe: {  	s13 =	sadd.s32 s14, s13  }
0xf: {  	[tilespmem:s2], [sflag:$0x2] =	stream.linear.gather [hbm4b:s13+s2], $0x80, $0x38;
	[tilespmem:$0x4080] =	vst v63  }
0x10: {  	_ =	swait.ge [sflag:s8], $0x80  }
0x11: {  	[sflag:s8] =	ssyncset.done $0x0  }
0x12: {  	s31 =	simm.s32 $0x1;
	[sflag:s8] =	ssyncadd.s32 $0xFFFFFF80  }
0x13: {  	[tilespmem:s9], [sflag:$0x1] =	stream.indirect.gather [hbm4b:s3+s9], $0x80, s2, s9, $0xb8;
	[tilespmem:$0x4080] =	vst v63  }
0x14: {  	s12 =	sshll.u32 s12, $0xB;
	s15 =	sshll.u32 s15, $0x10;
	_ =	swait.ge [sflag:s10], $0x4000  }
0x15: {  	s12 =	sadd.s32 s12, s6;
	s14 =	simm.s32 $0x2;
	[sflag:s10] =	ssyncset.done $0x0  }
0x16: {  	s12 =	sadd.s32 s15, s12;
	s13 =	sand.u32 $0x1F, s31;
	[sflag:s10] =	ssyncadd.s32 $0xFFFFC000  }
0x17: {  	[hbm4b:s12+s2] =	stream.linear.scatter [tilespmem:s9], [sflag:$0x2], $0x4000, $0x38;
	[tilespmem:$0x4080] =	vst v63  }
0x18: {  	s16 =	sshll.u32 s13, $0x7;
	s12 =	sadd.s32 $0x0, s4;
	_ =	swait.ge [sflag:s8], $0x4000  }
0x19: {  	s16 =	sadd.s32 s16, s5;
	s15 =	sshll.u32 s12, $0x4;
	[sflag:s8] =	ssyncset.done $0x0  }
.LBB2_2:
0x1a: {  	s15 =	sadd.s32 s15, s16  }
0x1b: {  	s13 =	sshll.u32 s13, $0xB;
	[sflag:s8] =	ssyncadd.s32 $0xFFFFC000;
	s16 =	smov.u32 s14  }
0x1c: {  	[tilespmem:s2], [sflag:$0x2] =	stream.linear.gather [hbm4b:s15+s2], $0x80, $0x38;
	[tilespmem:$0x4080] =	vst v63  }
0x1d: {  	s17 =	sadd.s32 $0x1, s14;
	s13 =	sadd.s32 s13, s6;
	_ =	swait.ge [sflag:s8], $0x80  }
0x1e: {  	p0 =	sne.s32 s14, $0x7F;
	[sflag:s8] =	ssyncset.done $0x0  }
0x1f: {  	s12 =	sshll.u32 s12, $0x10;
	[sflag:s8] =	ssyncadd.s32 $0xFFFFFF80  }
0x20: {  	[tilespmem:s9], [sflag:$0x1] =	stream.indirect.gather [hbm4b:s3+s9], $0x80, s2, s9, $0xb8;
	[tilespmem:$0x4080] =	vst v63  }
0x21: {  	s12 =	sadd.s32 s12, s13;
	_ =	swait.ge [sflag:s10], $0x4000  }
.Ltmp0:
0x22: {  	s13 =	sand.u32 $0x1F, s16;
	[sflag:s10] =	ssyncset.done $0x0;
	(pc) =	sbr.rel @p0 .LBB2_2-.Ltmp0, $4  }
0x23: {  	s14 =	sshrl.u32 s16, $0x5;
	s16 =	sshll.u32 s13, $0x7;
	[sflag:s10] =	ssyncadd.s32 $0xFFFFC000  }
0x24: {  	[hbm4b:s12+s2] =	stream.linear.scatter [tilespmem:s9], [sflag:$0x2], $0x4000, $0x38;
	[tilespmem:$0x4080] =	vst v63  }
0x25: {  	s16 =	sadd.s32 s16, s5;
	s12 =	sadd.s32 s4, s14;
	_ =	swait.ge [sflag:s8], $0x4000  }
0x26: {  	s14 =	smov.u32 s17;
	s15 =	sshll.u32 s12, $0x4;
	[sflag:s8] =	ssyncset.done $0x0  }
0x27: {  	s14 =	sadd.s32 s15, s16;
	[sflag:s8] =	ssyncadd.s32 $0xFFFFC000  }
0x28: {  	[tilespmem:s2], [sflag:$0x2] =	stream.linear.gather [hbm4b:s14+s2], $0x80, $0x38;
	[tilespmem:$0x4080] =	vst v63  }
0x29: {  	_ =	swait.ge [sflag:s8], $0x80  }
0x2a: {  	[sflag:s8] =	ssyncset.done $0x0  }
0x2b: {  	s13 =	sshll.u32 s13, $0xB;
	[sflag:s8] =	ssyncadd.s32 $0xFFFFFF80  }
0x2c: {  	[tilespmem:s9], [sflag:$0x1] =	stream.indirect.gather [hbm4b:s3+s9], $0x80, s2, s9, $0xb8;
	[tilespmem:$0x4080] =	vst v63  }
0x2d: {  	s12 =	sshll.u32 s12, $0x10;
	s11 =	sadd.s32 $0x1, s11;
	_ =	swait.ge [sflag:s10], $0x4000  }
0x2e: {  	s13 =	sadd.s32 s13, s6;
	p0 =	sne.s32 s11, s7;
	[sflag:s10] =	ssyncset.done $0x0  }
.Ltmp1:
0x2f: {  	s12 =	sadd.s32 s12, s13;
	[sflag:s10] =	ssyncadd.s32 $0xFFFFC000;
	(pc) =	sbr.rel @p0 .LBB2_1-.Ltmp1, $4  }
0x30: {  	[hbm4b:s12+s2] =	stream.linear.scatter [tilespmem:s9], [sflag:$0x2], $0x4000, $0x38;
	[tilespmem:$0x4080] =	vst v63  }
0x31: {  	_ =	swait.ge [sflag:s8], $0x4000  }
0x32: {  	[sflag:s8] =	ssyncset.done $0x0  }
0x33: {  	[sflag:s8] =	ssyncadd.s32 $0xFFFFC000  }
0x34: {  	_ =	sfence.sel $0x180000  }
0x35: {  	[bflag:$0x0] =	sbarrier.arrive $0xFFFF  }
0x36: {  	p0 =	sne.s32 s1, $0x0;
	_ =	strace $0x9000004D  }
0x37: {  	s0 =	sadd.s32 @!p0 $0x100000, s0;
	[bflag:$0x2] =	sbarrier.arrive $0xFFFF  }
0x38: {  	[sflag:s0] =	ssyncadd.tile.s32 @!p0 $0x1;
	_ =	shalt  }
.Lfunc_end2:
_tile_overlayer_lowered:
.L_overlay_start_2:
0x39: {  	(tag) =	ssettag $0x2  }
0x3a: {  	s0 =	rddreg [dreg:$0x0];
	s2 =	stileid.u32  }
0x3b: {  	s1 =	rddreg [dreg:$0x1];
	p0 =	sne.s32 s2, $0x0  }
0x3c: {  	s3 =	rddreg [dreg:$0x2];
	[bflag:$0x3] =	sbarrier.arrive $0xFFFF;
	s2 =	simm.s32 @!p0 $0x1C02  }
0x3d: {  	[timem:s3], [sflag:s2] =	dma.local @!p0 [hbm:s0], s1  }
0x3e: {  	s0 =	simm.s32 @!p0 $0x2  }
0x3f: {  	_ =	swait.ge @!p0 [sflag:s0], s1  }
0x40: {  	s1 =	ssub.s32 @!p0 $0x0, s1;
	[sflag:s0] =	ssyncset.done @!p0 $0x0  }
0x41: {  	[sflag:s0] =	ssyncadd.s32 @!p0 s1  }
0x42: {  	[bflag:$0x3] =	sbarrier.arrive $0xFFFF  }
0x43: {  	_ =	shalt  }

// kernel: kernel.7.cloned.1.call-start
scs
__scs_entry_jumppad:
0x0: {  	(pc) =	sbr.rel $0x88, $3  }
0x1: {  	(tag) =	ssettag $0x0;
	lr =	simm.s32 $0x1  }
0x2: {  	[smem:$0x3F9E] =	sst lr;
	_ =	strace $0xD0000000  }
0x3: {  	_ = 	snop  }
0x4: {  	_ = 	snop  }
0x5: {  	_ = 	snop  }
0x6: {  	_ = 	snop  }
0x7: {  	_ = 	snop  }
__scs_overlays_trampoline_lowered:
0x8: {  	[smem:$0x3FAD] =	sst s0  }
0x9: {  	[smem:$0x3FAE] =	sst s1  }
0xa: {  	[smem:$0x3FAF] =	sst s2  }
0xb: {  	[smem:$0x3FB0] =	sst s3  }
0xc: {  	[smem:$0x3FB1] =	sst s4  }
0xd: {  	[smem:$0x3FB2] =	sst s5  }
0xe: {  	[smem:$0x3FB3] =	sst s6  }
0xf: {  	[smem:$0x3FB4] =	sst s7  }
0x10: {  	[smem:$0x3FB5] =	sst s8  }
0x11: {  	[smem:$0x3FB6] =	sst s9;
	s0 =	simm.s32 @!p0 $0x0  }
0x12: {  	s1 =	sld [smem:$0x3F9C];
	s0 =	simm.s32 @p0 $0x1  }
0x13: {  	[smem:$0x3FB7] =	sst s0;
	s0 =	simm.s32 @!p1 $0x0  }
0x14: {  	s2 =	sld [smem:$0x3F9B];
	s0 =	simm.s32 @p1 $0x1  }
0x15: {  	[smem:$0x3FB8] =	sst s0;
	s0 =	simm.s32 @!p2 $0x0  }
0x16: {  	s3 =	sld [smem:$0x3FDB];
	s0 =	simm.s32 @p2 $0x1  }
0x17: {  	s4 =	simm.s32 $0x1BF5;
	[smem:$0x3FBA] =	sst s0  }
0x18: {  	s0 =	sld [smem:$0x3F9D];
	_ =	swait.ge [sflag:s4], $0x0  }
0x19: {  	s7 =	sld [smem:$0x3F9E]  }
0x1a: {  	s8 =	sadd.s32 $0xFFFFE003, lr  }
0x1b: {  	s9 =	sadd.s32 $0xFFFFFEF7, lr;
	s5 =	simm.s32 $0xFFFFFFFF;
	p2 =	slt.u32 s8, $0xFFFFF086  }
0x1c: {  	p1 =	slt.u32 s9, $0xF7A;
	s5 =	simm.s32 @!p2 $0x0  }
0x1d: {  	s5 =	simm.s32 @p1 $0x1;
	p0 =	seq.s32 s7, s2  }
0x1e: {  	s7 =	smul.u32 @!p0 $0xF7A, s2;
	p2 =	seq.s32 @!p0 s5, $0x0  }
0x1f: {  	s9 =	smul.u32 $0xF7A, s1;
	s8 =	simm.s32 @!p0 $0x1BF5;
	p2 =	por !p2, p0  }
0x20: {  	[sflag:s8] =	ssyncset.s32 @!p0 $0xFFFFF086;
	s6 =	sadd.s32 @!p0 s3, s7;
	s7 =	simm.s32 @!p0 $0x108  }
0x21: {  	s3 =	sadd.s32 s3, s9;
	s6 =	sadd.s32 @!p0 $0x88, s6;
	s7 =	simm.s32 @p2 $0x1082  }
0x22: {  	[simem:s7], [sflag:s8] =	dma.local @!p0 [hbm:s6], $0xF7A  }
0x23: {  	s9 =	sor.u32 $0xD0000000, s2;
	s6 =	simm.s32 $0x108;
	_ =	swait.ge @!p0 [sflag:s8], $0x0  }
0x24: {  	s3 =	sadd.s32 $0x88, s3;
	s6 =	simm.s32 @!p1 $0x1082;
	[sflag:s4] =	ssyncset.s32 $0xFFFFF086  }
0x25: {  	[simem:s6], [sflag:s4] =	dma.local [hbm:s3], $0xF7A  }
0x26: {  	[smem:$0x3F9E] =	sst s1;
	(tag) =	ssettag s2;
	_ =	strace s9  }
0x27: {  	s1 =	sld [smem:$0x3FAE]  }
0x28: {  	s2 =	sld [smem:$0x3FAF]  }
0x29: {  	s4 =	sld [smem:$0x3FB1]  }
0x2a: {  	p0 =	seq.s32 s5, $0x0;
	s5 =	sld [smem:$0x3FB2]  }
0x2b: {  	s6 =	sld [smem:$0x3FB3]  }
0x2c: {  	s7 =	sld [smem:$0x3FB4]  }
0x2d: {  	s3 =	simm.s32 $0x108;
	s8 =	sld [smem:$0x3FB5]  }
0x2e: {  	s3 =	simm.s32 @!p0 $0x1082;
	s9 =	sld [smem:$0x3FB6]  }
0x2f: {  	lr =	sadd.s32 s0, s3;
	s0 =	sld [smem:$0x3FAD]  }
0x30: {  	s3 =	sld [smem:$0x3FB0]  }
0x31: {  	[smem:$0x3FB9] =	sst s10  }
0x32: {  	s10 =	sld [smem:$0x3FB7];
	_ =	sdelay $0x3  }
0x33: {  	p0 =	seq.s32 s10, $0x1;
	s10 =	sld [smem:$0x3FB9];
	_ =	sdelay $0x3  }
0x34: {  	[smem:$0x3FB9] =	sst s10  }
0x35: {  	s10 =	sld [smem:$0x3FB8];
	_ =	sdelay $0x3  }
0x36: {  	p1 =	seq.s32 s10, $0x1;
	s10 =	sld [smem:$0x3FB9];
	_ =	sdelay $0x3  }
0x37: {  	[smem:$0x3FB9] =	sst s10  }
0x38: {  	s10 =	sld [smem:$0x3FBA]  }
0x39: {  	_ = 	snop;
	(pc) =	sbr.ind lr, $3  }
0x3a: {  	_ = 	snop  }
0x3b: {  	_ = 	snop  }
0x3c: {  	p2 =	seq.s32 s10, $0x1;
	s10 =	sld [smem:$0x3FB9]  }
0x3d: {  	_ =	shalt  }
0x3e: {  	_ =	shalt  }
0x3f: {  	_ =	shalt  }
0x40: {  	_ =	shalt  }
0x41: {  	_ =	shalt  }
0x42: {  	_ =	shalt  }
0x43: {  	_ =	shalt  }
0x44: {  	_ =	shalt  }
0x45: {  	_ =	shalt  }
0x46: {  	_ =	shalt  }
0x47: {  	_ =	shalt  }
0x48: {  	_ =	shalt  }
0x49: {  	_ =	shalt  }
0x4a: {  	_ =	shalt  }
0x4b: {  	_ =	shalt  }
0x4c: {  	_ =	shalt  }
0x4d: {  	_ =	shalt  }
0x4e: {  	_ =	shalt  }
0x4f: {  	_ =	shalt  }
0x50: {  	_ =	shalt  }
0x51: {  	_ =	shalt  }
0x52: {  	_ =	shalt  }
0x53: {  	_ =	shalt  }
0x54: {  	_ =	shalt  }
0x55: {  	_ =	shalt  }
0x56: {  	_ =	shalt  }
0x57: {  	_ =	shalt  }
0x58: {  	_ =	shalt  }
0x59: {  	_ =	shalt  }
0x5a: {  	_ =	shalt  }
0x5b: {  	_ =	shalt  }
0x5c: {  	_ =	shalt  }
0x5d: {  	_ =	shalt  }
0x5e: {  	_ =	shalt  }
0x5f: {  	_ =	shalt  }
0x60: {  	_ =	shalt  }
0x61: {  	_ =	shalt  }
0x62: {  	_ =	shalt  }
0x63: {  	_ =	shalt  }
0x64: {  	_ =	shalt  }
0x65: {  	_ =	shalt  }
0x66: {  	_ =	shalt  }
0x67: {  	_ =	shalt  }
0x68: {  	_ =	shalt  }
0x69: {  	_ =	shalt  }
0x6a: {  	_ =	shalt  }
0x6b: {  	_ =	shalt  }
0x6c: {  	_ =	shalt  }
0x6d: {  	_ =	shalt  }
0x6e: {  	_ =	shalt  }
0x6f: {  	_ =	shalt  }
0x70: {  	_ =	shalt  }
0x71: {  	_ =	shalt  }
0x72: {  	_ =	shalt  }
0x73: {  	_ =	shalt  }
0x74: {  	_ =	shalt  }
0x75: {  	_ =	shalt  }
0x76: {  	_ =	shalt  }
0x77: {  	_ =	shalt  }
0x78: {  	_ =	shalt  }
0x79: {  	_ =	shalt  }
0x7a: {  	_ =	shalt  }
0x7b: {  	_ =	shalt  }
0x7c: {  	_ =	shalt  }
0x7d: {  	_ =	shalt  }
0x7e: {  	_ =	shalt  }
0x7f: {  	_ =	shalt  }
0x80: {  	_ =	shalt  }
0x81: {  	_ =	shalt  }
0x82: {  	_ =	shalt  }
0x83: {  	_ =	shalt  }
0x84: {  	_ =	shalt  }
0x85: {  	_ =	shalt  }
0x86: {  	_ =	shalt  }
0x87: {  	_ =	shalt  }
.Lfunc_end0:
.L_simem_size_0:
called_computation.2_lowered:
.L_overlay_start_0:
0x88: {  	s2 =	sld [smem:$0x3FD9]  }
0x89: {  	s3 =	sld [smem:$0x3FFE];
	_ =	sdelay $0x1  }
0x8a: {  	s1 =	srdreg.scid  }
0x8b: {  	s0 =	sand.u32 $0x1, s1  }
0x8c: {  	s17 =	sshll.u32 s0, $0xA;
	s2 =	sadd.s32 s3, s2  }
0x8d: {  	s2 =	sadd.s32 s2, s17  }
0x8e: {  	[smem:$0x3FC5] =	sst s2  }
0x8f: {  	_ = 	snop  }
0x90: {  	s2 =	sld [smem:$0x3FD0];
	(tm) =	ssettm $0x1  }
0x91: {  	s18 =	sld [smem:$0x3FFB];
	_ =	sdelay $0x3  }
0x92: {  	_ =	strace s18  }
0x93: {  	s3 =	sld [smem:$0x3FFC];
	_ =	sdelay $0x3  }
0x94: {  	_ =	strace s3  }
0x95: {  	s3 =	sld [smem:$0x3FFD];
	_ =	sdelay $0x3  }
0x96: {  	_ =	strace s3  }
0x97: {  	_ =	strace $0x8FFFFFFF  }
0x98: {  	s19 =	sld [smem:$0x3FDB];
	_ =	sdelay $0x1  }
0x99: {  	s4 =	simm.s32 $_scs_section_size  }
0x9a: {  	s5 =	simm.s32 $_size__tile_overlayer_lowered;
	s6 =	simm.s32 $_tile_overlayer_lowered  }
0x9b: {  	s22 =	simm.s32 $0x1BFF;
	s21 =	sshll.u32 s6, $0x1;
	s3 =	sadd.s32 s4, s19  }
0x9c: {  	s7 =	simm.s32 $0x0;
	s20 =	sshll.u32 s5, $0x1;
	s5 =	sadd.s32 s21, s3  }
0x9d: {  	[timem:s7], [sflag:s22] =	dma.local [hbm:s5], s20  }
0x9e: {  	_ =	swait.ge [sflag:s22], s20  }
0x9f: {  	s4 =	ssub.s32 $0x0, s20;
	[sflag:s22] =	ssyncset.done $0x0  }
0xa0: {  	[sflag:s22] =	ssyncadd.s32 s4;
	_ =	sdelay $0x1  }
0xa1: {  	s23 =	simm.s32 $0x1B8B  }
0xa2: {  	_ =	swait.ge [sflag:s23], $0x1  }
0xa3: {  	[sflag:s23] =	ssyncset.done $0x0  }
0xa4: {  	s25 =	simm.s32 $0x1B8E;
	s24 =	sld [smem:$0x3FFE];
	[sflag:s23] =	ssyncadd.s32 $0xFFFFFFFF  }
0xa5: {  	s26 =	simm.s32 $execute0_lowered;
	[smem:$0x3FD2] =	sst s25  }
0xa6: {  	s5 =	sshll.u32 s26, $0x1;
	_ =	strace $0x80000049;
	[dreg:$0x1] =	wrdreg $0xFFFFFFFF  }
0xa7: {  	s28 =	simm.s32 $_size_execute0_lowered;
	s3 =	sadd.s32 s3, s5;
	[dreg:$0x0] =	wrdreg $0x0  }
0xa8: {  	s5 =	sshll.u32 s28, $0x1;
	[dreg:$0x2] =	wrdreg s3  }
0xa9: {  	[dreg:$0x3] =	wrdreg s5  }
0xaa: {  	[dreg:$0x4] =	wrdreg $0xC0  }
0xab: {  	_ =	task [dreg:s7], $0x5FFFF  }
0xac: {  	[dreg:$0x1] =	wrdreg $0xFFFFFFFF  }
0xad: {  	[dreg:$0x0] =	wrdreg $0x60  }
0xae: {  	[dreg:$0x2] =	wrdreg s24  }
0xaf: {  	[dreg:$0x3] =	wrdreg s2  }
0xb0: {  	[dreg:$0x4] =	wrdreg $0x9  }
0xb1: {  	_ =	task.clear_ibuf [dreg:s7], $0x5FFFF;
	_ =	strace $0x90000049  }
0xb2: {  	s29 =	simm.s32 $0x9;
	_ =	strace $0x8000004B  }
0xb3: {  	_ =	swait.ge [sflag:s29], $0x1  }
0xb4: {  	[sflag:s29] =	ssyncadd.s32 $0xFFFFFFFF  }
0xb5: {  	_ =	strace $0x9000004B  }
0xb6: {  	_ =	sfence  }
0xb7: {  	s30 =	sld [smem:$0x0];
	_ =	sdelay $0x2  }
0xb8: {  	s31 =	sshll.u32 s1, $0xD;
	s1 =	sshrl.u32 s1, $0x2  }
0xb9: {  	s3 =	sand.u32 $0x4000, s31;
	s1 =	sadd.s32 s1, s30  }
0xba: {  	s0 =	sor.u32 s3, s0;
	s1 =	sshll.u32 s1, $0x11  }
0xbb: {  	s0 =	sor.u32 s1, s0  }
0xbc: {  	s0 =	sadd.s32 $0x8F2B, s0  }
0xbd: {  	[sflag:s0] =	ssyncadd.remote.s32 $0x1  }
0xbe: {  	_ =	sfence.sel $0xFFFF  }
0xbf: {  	[dreg:$0x0] =	wrdreg $0xFFFFFFFF;
	(pc) =	sbr.abs _section_cstart, $3  }
0xc0: {  	[dreg:$0x1] =	wrdreg $0xFFFFFFFF  }
0xc1: {  	_ =	task.clear_ibuf [dreg:s7], $0x2FFFF;
	_ =	strace $0x9FFFFFFF  }
0xc2: {  	(tm) =	ssettm $0x7FFFFFFF  }
0xc3: {  	_ =	shalt  }
tec
execute0_lowered:
.L_overlay_start_1:
0x0: {  	(tag) =	ssettag $0x1  }
0x1: {  	s3 =	rddreg [dreg:$0x0]  }
0x2: {  	s5 =	rddreg [dreg:$0x1]  }
0x3: {  	s0 =	rddreg [dreg:$0x2]  }
0x4: {  	s2 =	simm.s32 $0x0;
	s1 =	stileid.u32;
	s4 =	srdreg.scid  }
0x5: {  	s10 =	simm.s32 $0x1;
	s11 =	simm.s32 $0x0;
	[smem:$0x7FF] =	sst s2  }
0x6: {  	s6 =	sshll.u32 s1, $0x11;
	s4 =	sand.u32 $0x1, s4;
	s9 =	sshll.u32 s1, $0xC  }
0x7: {  	_ =	strace $0x8000004A;
	s6 =	sadd.s32 s6, s3;
	s7 =	ssub.s32 $0x2, s4  }
0x8: {  	s3 =	sadd.s32 $0x1A00, s3;
	s4 =	sshll.u32 s4, $0x2;
	s8 =	sshrl.u32 s7, $0x1  }
0x9: {  	s5 =	sadd.s32 s5, s9;
	s9 =	simm.s32 $0x80;
	s7 =	ssub.s32 s7, s8  }
0xa: {  	s6 =	sadd.s32 $0xA01A00, s6;
	s8 =	simm.s32 $0x2;
	s7 =	smax.u32 s7, $0x1  }
.LBB2_1:
0xb: {  	s12 =	sand.u32 $0xF80, s2;
	s13 =	sadd.s32 $0x0, s4  }
0xc: {  	s14 =	sshll.u32 s13, $0x4;
	s12 =	sadd.s32 s12, s5  }
0xd: {  	s12 =	sadd.s32 s14, s12  }
0xe: {  	[tilespmem:s2], [sflag:$0x2] =	stream.linear.gather [hbm4b:s12+s2], $0x80, $0x38;
	[tilespmem:$0x4080] =	vst v63  }
0xf: {  	s30 =	sand.u32 $0x3800, s2;
	_ =	swait.ge [sflag:s8], $0x80  }
0x10: {  	s13 =	sshll.u32 s13, $0xE;
	s12 =	sadd.s32 s30, s6;
	[sflag:s8] =	ssyncset.done $0x0  }
0x11: {  	s12 =	sadd.s32 s13, s12;
	[sflag:s8] =	ssyncadd.s32 $0xFFFFFF80  }
0x12: {  	[tilespmem:s9], [sflag:$0x2] =	stream.linear.gather [hbm4b:s12+s2], $0x4000, $0x38;
	[tilespmem:$0x4080] =	vst v63  }
0x13: {  	s31 =	sadd.s32 $0x0, s4;
	_ =	swait.ge [sflag:s8], $0x4000  }
0x14: {  	s15 =	simm.s32 $0x2;
	s17 =	sshll.u32 s31, $0x4;
	[sflag:s8] =	ssyncset.done $0x0  }
0x15: {  	s14 =	sshll.u32 s31, $0xE;
	s13 =	simm.s32 $0x80;
	[sflag:s8] =	ssyncadd.s32 $0xFFFFC000  }
0x16: {  	[hbm4b:s3+s9] =	stream.indirect.scatter [tilespmem:s9], [sflag:$0x1], $0x80, s2, s9, $0xb8;
	[tilespmem:$0x4080] =	vst v63  }
0x17: {  	s16 =	sand.u32 $0xF80, s13;
	s12 =	simm.s32 $0x800;
	_ =	swait.ge [sflag:s10], $0x4000  }
.LBB2_2:
0x18: {  	s16 =	sadd.s32 s16, s5  }
0x19: {  	[sflag:s10] =	ssyncset.done $0x0;
	s18 =	smov.u32 s15;
	s19 =	sadd.s32 $0x1, s15  }
0x1a: {  	s16 =	sadd.s32 s17, s16;
	s17 =	sand.u32 $0x3800, s12;
	[sflag:s10] =	ssyncadd.s32 $0xFFFFC000  }
0x1b: {  	[tilespmem:s2], [sflag:$0x2] =	stream.linear.gather [hbm4b:s16+s2], $0x80, $0x38;
	[tilespmem:$0x4080] =	vst v63  }
0x1c: {  	p0 =	sne.s32 s15, $0x7F;
	s15 =	sadd.s32 s17, s6;
	_ =	swait.ge [sflag:s8], $0x80  }
0x1d: {  	s14 =	sadd.s32 s14, s15;
	[sflag:s8] =	ssyncset.done $0x0  }
0x1e: {  	s13 =	sadd.s32 $0x80, s13;
	[sflag:s8] =	ssyncadd.s32 $0xFFFFFF80  }
0x1f: {  	[tilespmem:s9], [sflag:$0x2] =	stream.linear.gather [hbm4b:s14+s2], $0x4000, $0x38;
	[tilespmem:$0x4080] =	vst v63  }
.Ltmp0:
0x20: {  	s12 =	sadd.s32 $0x800, s12;
	_ =	swait.ge [sflag:s8], $0x4000;
	(pc) =	sbr.rel @p0 .LBB2_2-.Ltmp0, $4  }
0x21: {  	s16 =	sand.u32 $0xF80, s13;
	s14 =	sshrl.u32 s18, $0x5;
	[sflag:s8] =	ssyncset.done $0x0  }
0x22: {  	s15 =	smov.u32 s19;
	s14 =	sadd.s32 s4, s14;
	[sflag:s8] =	ssyncadd.s32 $0xFFFFC000  }
0x23: {  	[hbm4b:s3+s9] =	stream.indirect.scatter [tilespmem:s9], [sflag:$0x1], $0x80, s2, s9, $0xb8;
	[tilespmem:$0x4080] =	vst v63  }
0x24: {  	s17 =	sshll.u32 s14, $0x4;
	s14 =	sshll.u32 s14, $0xE;
	_ =	swait.ge [sflag:s10], $0x4000  }
0x25: {  	s13 =	sadd.s32 s16, s5;
	[sflag:s10] =	ssyncset.done $0x0  }
0x26: {  	s13 =	sadd.s32 s17, s13;
	[sflag:s10] =	ssyncadd.s32 $0xFFFFC000  }
0x27: {  	[tilespmem:s2], [sflag:$0x2] =	stream.linear.gather [hbm4b:s13+s2], $0x80, $0x38;
	[tilespmem:$0x4080] =	vst v63  }
0x28: {  	s12 =	sand.u32 $0x3800, s12;
	_ =	swait.ge [sflag:s8], $0x80  }
0x29: {  	s12 =	sadd.s32 s12, s6;
	[sflag:s8] =	ssyncset.done $0x0  }
0x2a: {  	s12 =	sadd.s32 s14, s12;
	[sflag:s8] =	ssyncadd.s32 $0xFFFFFF80  }
0x2b: {  	[tilespmem:s9], [sflag:$0x2] =	stream.linear.gather [hbm4b:s12+s2], $0x4000, $0x38;
	[tilespmem:$0x4080] =	vst v63  }
0x2c: {  	s11 =	sadd.s32 $0x1, s11;
	_ =	swait.ge [sflag:s8], $0x4000  }
0x2d: {  	p0 =	sne.s32 s11, s7;
	[sflag:s8] =	ssyncset.done $0x0  }
.Ltmp1:
0x2e: {  	[sflag:s8] =	ssyncadd.s32 $0xFFFFC000;
	(pc) =	sbr.rel @p0 .LBB2_1-.Ltmp1, $4  }
0x2f: {  	[hbm4b:s3+s9] =	stream.indirect.scatter [tilespmem:s9], [sflag:$0x1], $0x80, s2, s9, $0xb8;
	[tilespmem:$0x4080] =	vst v63  }
0x30: {  	_ =	swait.ge [sflag:s10], $0x4000  }
0x31: {  	[sflag:s10] =	ssyncset.done $0x0  }
0x32: {  	[sflag:s10] =	ssyncadd.s32 $0xFFFFC000  }
0x33: {  	_ =	sfence.sel $0x180000  }
0x34: {  	[bflag:$0x0] =	sbarrier.arrive $0xFFFF  }
0x35: {  	p0 =	sne.s32 s1, $0x0;
	_ =	strace $0x9000004A  }
0x36: {  	s0 =	sadd.s32 @!p0 $0x100000, s0;
	[bflag:$0x2] =	sbarrier.arrive $0xFFFF  }
0x37: {  	[sflag:s0] =	ssyncadd.tile.s32 @!p0 $0x1;
	_ =	shalt  }
.Lfunc_end2:
_tile_overlayer_lowered:
.L_overlay_start_2:
0x38: {  	(tag) =	ssettag $0x2  }
0x39: {  	s0 =	rddreg [dreg:$0x0];
	s2 =	stileid.u32  }
0x3a: {  	s1 =	rddreg [dreg:$0x1];
	p0 =	sne.s32 s2, $0x0  }
0x3b: {  	s3 =	rddreg [dreg:$0x2];
	[bflag:$0x3] =	sbarrier.arrive $0xFFFF;
	s2 =	simm.s32 @!p0 $0x1C02  }
0x3c: {  	[timem:s3], [sflag:s2] =	dma.local @!p0 [hbm:s0], s1  }
0x3d: {  	s0 =	simm.s32 @!p0 $0x2  }
0x3e: {  	_ =	swait.ge @!p0 [sflag:s0], s1  }
0x3f: {  	s1 =	ssub.s32 @!p0 $0x0, s1;
	[sflag:s0] =	ssyncset.done @!p0 $0x0  }
0x40: {  	[sflag:s0] =	ssyncadd.s32 @!p0 s1  }
0x41: {  	[bflag:$0x3] =	sbarrier.arrive $0xFFFF  }
0x42: {  	_ =	shalt  }

// kernel: sparse-core-data-format-call.1.cloned.1.call-start
scs
called_computation.1_lowered:
.L_overlay_start_0:
0x0: {  	s2 =	sld [smem:$0x3FD9]  }
0x1: {  	s3 =	sld [smem:$0x3FFE];
	_ =	sdelay $0x1  }
0x2: {  	s1 =	srdreg.scid  }
0x3: {  	s0 =	sand.u32 $0x1, s1  }
0x4: {  	s18 =	sshll.u32 s0, $0xA;
	s2 =	sadd.s32 s3, s2  }
0x5: {  	s2 =	sadd.s32 s2, s18  }
0x6: {  	[smem:$0x3FC5] =	sst s2  }
0x7: {  	_ = 	snop  }
0x8: {  	s2 =	sld [smem:$0x3FD0];
	(tm) =	ssettm $0x1  }
0x9: {  	s19 =	sld [smem:$0x3FFB];
	_ =	sdelay $0x3  }
0xa: {  	_ =	strace s19  }
0xb: {  	s3 =	sld [smem:$0x3FFC];
	_ =	sdelay $0x3  }
0xc: {  	_ =	strace s3  }
0xd: {  	s3 =	sld [smem:$0x3FFD];
	_ =	sdelay $0x3  }
0xe: {  	_ =	strace s3  }
0xf: {  	_ =	strace $0x8FFFFFFF  }
0x10: {  	s20 =	sld [smem:$0x3FDB];
	_ =	sdelay $0x1  }
0x11: {  	s4 =	simm.s32 $_scs_section_size  }
0x12: {  	s5 =	simm.s32 $_size__tile_overlayer_lowered;
	s6 =	simm.s32 $_tile_overlayer_lowered  }
0x13: {  	s23 =	simm.s32 $0x1BFF;
	s22 =	sshll.u32 s6, $0x1;
	s3 =	sadd.s32 s4, s20  }
0x14: {  	s7 =	simm.s32 $0x0;
	s21 =	sshll.u32 s5, $0x1;
	s5 =	sadd.s32 s22, s3  }
0x15: {  	[timem:s7], [sflag:s23] =	dma.local [hbm:s5], s21  }
0x16: {  	_ =	swait.ge [sflag:s23], s21  }
0x17: {  	s4 =	ssub.s32 $0x0, s21;
	[sflag:s23] =	ssyncset.done $0x0  }
0x18: {  	[sflag:s23] =	ssyncadd.s32 s4;
	_ =	sdelay $0x1  }
0x19: {  	s24 =	simm.s32 $0x1B8B  }
0x1a: {  	_ =	swait.ge [sflag:s24], $0x1  }
0x1b: {  	[sflag:s24] =	ssyncset.done $0x0  }
0x1c: {  	s26 =	simm.s32 $0x1B8E;
	s25 =	sld [smem:$0x3FFE];
	[sflag:s24] =	ssyncadd.s32 $0xFFFFFFFF  }
0x1d: {  	s27 =	simm.s32 $execute0_lowered;
	[smem:$0x3FD2] =	sst s26  }
0x1e: {  	s5 =	sshll.u32 s27, $0x1;
	_ =	strace $0x80000046;
	[dreg:$0x1] =	wrdreg $0xFFFFFFFF  }
0x1f: {  	s28 =	simm.s32 $_size_execute0_lowered;
	s3 =	sadd.s32 s3, s5;
	[dreg:$0x0] =	wrdreg $0x0  }
0x20: {  	s5 =	sshll.u32 s28, $0x1;
	[dreg:$0x2] =	wrdreg s3  }
0x21: {  	[dreg:$0x3] =	wrdreg s5  }
0x22: {  	[dreg:$0x4] =	wrdreg $0xC0  }
0x23: {  	_ =	task [dreg:s7], $0x5FFFF  }
0x24: {  	[dreg:$0x1] =	wrdreg $0xFFFFFFFF  }
0x25: {  	[dreg:$0x0] =	wrdreg $0x60  }
0x26: {  	[dreg:$0x2] =	wrdreg s2  }
0x27: {  	[dreg:$0x3] =	wrdreg s25  }
0x28: {  	[dreg:$0x4] =	wrdreg $0x9  }
0x29: {  	_ =	task.clear_ibuf [dreg:s7], $0x5FFFF;
	_ =	strace $0x90000046  }
0x2a: {  	s29 =	simm.s32 $0x9;
	_ =	strace $0x80000048  }
0x2b: {  	_ =	swait.ge [sflag:s29], $0x1  }
0x2c: {  	[sflag:s29] =	ssyncadd.s32 $0xFFFFFFFF  }
0x2d: {  	_ =	strace $0x90000048  }
0x2e: {  	_ =	sfence  }
0x2f: {  	s30 =	sld [smem:$0x0];
	_ =	sdelay $0x2  }
0x30: {  	s31 =	sshll.u32 s1, $0xD;
	s1 =	sshrl.u32 s1, $0x2  }
0x31: {  	s3 =	sand.u32 $0x4000, s31;
	s1 =	sadd.s32 s1, s30  }
0x32: {  	s0 =	sor.u32 s3, s0;
	s1 =	sshll.u32 s1, $0x11  }
0x33: {  	s0 =	sor.u32 s1, s0  }
0x34: {  	s0 =	sadd.s32 $0x8F2B, s0  }
0x35: {  	[sflag:s0] =	ssyncadd.remote.s32 $0x1  }
0x36: {  	_ =	sfence.sel $0xFFFF  }
0x37: {  	[dreg:$0x0] =	wrdreg $0xFFFFFFFF;
	(pc) =	sbr.abs _section_cstart, $3  }
0x38: {  	[dreg:$0x1] =	wrdreg $0xFFFFFFFF  }
0x39: {  	_ =	task.clear_ibuf [dreg:s7], $0x2FFFF;
	_ =	strace $0x9FFFFFFF  }
0x3a: {  	(tm) =	ssettm $0x7FFFFFFF  }
0x3b: {  	_ =	shalt  }
tec
execute0_lowered:
.L_overlay_start_1:
0x0: {  	(tag) =	ssettag $0x1  }
0x1: {  	s2 =	rddreg [dreg:$0x0]  }
0x2: {  	s8 =	rddreg [dreg:$0x1];
	s3 =	srdreg.scid  }
0x3: {  	s0 =	rddreg [dreg:$0x2];
	s1 =	stileid.u32;
	_ =	strace $0x80000047  }
0x4: {  	s10 =	simm.s32 $0x2;
	s20 =	simm.s32 $0x0;
	s18 =	simm.s32 $0x0  }
0x5: {  	s17 =	simm.s32 $0x0;
	s19 =	simm.s32 $0x0;
	s21 =	simm.s32 $0x0  }
0x6: {  	s11 =	simm.s32 $0x0;
	s12 =	simm.s32 $0x0;
	s13 =	simm.s32 $0x0  }
0x7: {  	s16 =	simm.s32 $0x0;
	s3 =	sshll.u32 s3, $0x4;
	s4 =	sadd.s32 $0x1A00, s8  }
0x8: {  	s8 =	sadd.s32 $0x81A00, s8;
	s5 =	sand.u32 $0x10, s3;
	s3 =	sand.u32 $0x1, s1  }
.Ltmp0:
0x9: {  	s6 =	sor.u32 s1, s5;
	s7 =	ssub.s32 $0x2, s3;
	(pc) =	sbr.rel .LBB1_1-.Ltmp0, $4  }
0xa: {  	s5 =	simm.s32 $0x1;
	s9 =	sshrl.u32 s7, $0x1;
	s7 =	sand.u32 $0x1, s7  }
0xb: {  	s15 =	smov.u32 s3;
	[sflag:s5] =	ssyncpa.u1 $0x0;
	s7 =	sadd.s32 s7, s9  }
0xc: {  	s6 =	sshrl.u32 s6, $0x1;
	[sflag:s10] =	ssyncpa.u1 $0x0;
	s7 =	sshll.u32 s7, $0x4  }
0xd: {  	s10 =	simm.s32 $0x80;
	s14 =	smov.u32 s6;
	s9 =	sor.u32 $0x1, s7  }
.LBB1_7:
0xe: {  	s22 =	sadd.s32 $0x80, s11  }
0xf: {  	s17 =	sadd.s32 $0x2, s12;
	s23 =	smov.u32 s12;
	p1 =	sgt.s32 s22, $0x3FF  }
0x10: {  	s23 =	smov.u32 @p1 s17  }
0x11: {  	s24 =	smov.u32 s13;
	s17 =	sadd.s32 $0x40, s13;
	p2 =	sgt.s32 s23, $0x3  }
0x12: {  	s24 =	smov.u32 @p2 s17  }
0x13: {  	s25 =	smov.u32 s14;
	s17 =	sadd.s32 $0x10, s14;
	p3 =	sgt.s32 s24, $0x3F  }
0x14: {  	p0 =	slt.u32 s16, $0x2;
	s25 =	smov.u32 @p3 s17  }
0x15: {  	s26 =	smov.u32 s15;
	s17 =	sadd.s32 $0x2, s15;
	p4 =	sgt.s32 s25, $0xF  }
0x16: {  	s20 =	smov.u32 s11;
	s18 =	smov.u32 s12;
	s26 =	smov.u32 @p4 s17  }
0x17: {  	s19 =	smov.u32 s14;
	s22 =	simm.s32 @p1 $0x0;
	p1 =	sgt.s32 s26, $0x1  }
0x18: {  	s27 =	simm.s32 @!p0 $0x2;
	s26 =	smov.u32 @p1 s3;
	p1 =	sne.s32 s16, s9  }
.Ltmp1:
0x19: {  	s21 =	smov.u32 s15;
	_ =	swait.ge @!p0 [sflag:s27], $0x4000;
	(pc) =	sbr.rel @!p1 .LBB1_8-.Ltmp1, $4  }
0x1a: {  	[sflag:s27] =	ssyncset.done @!p0 $0x0;
	s11 =	smov.u32 s22;
	s23 =	simm.s32 @p2 $0x0  }
0x1b: {  	[sflag:s27] =	ssyncadd.s32 @!p0 $0xFFFFC000;
	s12 =	smov.u32 s23;
	s24 =	simm.s32 @p3 $0x0  }
0x1c: {  	s25 =	smov.u32 @p4 s6;
	s17 =	smov.u32 s13;
	s13 =	smov.u32 s24  }
0x1d: {  	s14 =	smov.u32 s25;
	s16 =	sadd.s32 $0x1, s16;
	s15 =	smov.u32 s26  }
.LBB1_1:
0x1e: {  	p0 =	sge.u32 s16, s7  }
0x1f: {  	s31 =	sadd.s32 $0xFFFFFFFF, s16;
	s22 =	sxor.u32 @!p0 $0xFFFFFFFF, s16  }
0x20: {  	s23 =	sshll.u32 @!p0 s12, $0x7;
	s24 =	sand.u32 @!p0 $0x78, s11;
	s25 =	sshll.u32 @!p0 s11, $0x2  }
0x21: {  	s26 =	sshll.u32 @!p0 s13, $0x9;
	s22 =	sshll.u32 @!p0 s22, $0xE;
	s23 =	sand.u32 @!p0 $0x180, s23  }
0x22: {  	s25 =	sand.u32 @!p0 $0x200, s25;
	s23 =	sor.u32 @!p0 s23, s24;
	s24 =	sshll.u32 @!p0 s15, $0x13  }
0x23: {  	s23 =	sor.u32 @!p0 s25, s23;
	s25 =	sshll.u32 @!p0 s14, $0xF;
	s24 =	sadd.s32 @!p0 s2, s24  }
0x24: {  	s27 =	sshrl.u32 @!p0 s11, $0x1;
	s22 =	sand.u32 @!p0 $0x4000, s22;
	s24 =	sadd.s32 @!p0 s25, s24  }
0x25: {  	s25 =	sand.u32 @!p0 $0x180, s27;
	s24 =	sadd.s32 @!p0 s26, s24;
	s26 =	sand.u32 @!p0 $0x7, s11  }
0x26: {  	s23 =	sshrl.u32 @!p0 s23, $0x3;
	s24 =	sadd.s32 @!p0 s25, s24;
	s25 =	sshll.u32 @!p0 s26, $0x12  }
0x27: {  	s23 =	sadd.s32 @!p0 s23, s24;
	s24 =	sor.u32 @!p0 $0x100, s25;
	s25 =	simm.s32 @!p0 $0x1000  }
0x28: {  	[tilespmem:s22], [sflag:$0x1] =	stream.strided.gather @!p0 [hbm4b:s23+s24], $0x4000, s25, s24, $0x38;
	[tilespmem:$0x10200] =	vst v63  }
0x29: {  	p0 =	sge.u32 s31, s7  }
.Ltmp2:
0x2a: {  	_ = 	snop;
	(pc) =	sbr.rel @p0 .LBB1_7-.Ltmp2, $1  }
0x2b: {  	_ =	sdelay $0x3  }
0x2c: {  	s23 =	sand.u32 $0x1, s16  }
0x2d: {  	s22 =	smul.u32 $0x10400, s23  }
0x2e: {  	_ =	swait.ge [sflag:s5], $0x4000  }
0x2f: {  	s25 =	simm.s32 $0x0;
	[sflag:s5] =	ssyncset.done $0x0;
	s22 =	sshrl.u32 s22, $0x2  }
0x30: {  	s24 =	sshll.u32 s23, $0xE;
	[sflag:s5] =	ssyncadd.s32 $0xFFFFC000;
	s23 =	sor.u32 $0x8000, s22  }
.LBB1_3:
0x31: {  	s26 =	sshll.u32 s25, $0x8  }
0x32: {  	s26 =	sand.u32 $0x3FFFFF00, s26  }
0x33: {  	s26 =	sadd.s32 s26, s24  }
0x34: {  	v0 =	vmov s26;
	_ =	sdelay $0x1  }
0x35: {  	p0 =	por $0x1, $0x1;
	s26 =	simm.s32 $0x0  }
.LBB1_4:
0x36: {  	s27 =	sshll.u32 s26, $0x7  }
0x37: {  	s27 =	sand.u32 $0x3FFFFF80, s27  }
0x38: {  	s31 =	smul.u32 $0x8200, s26;
	v1 =	vld.idx.msk [tilespmem:v0+s27+$0x0 ss:$0x1], $0xffff  }
0x39: {  	v2 =	vld.idx.msk [tilespmem:v0+s27+$0x10 ss:$0x1], $0xffff  }
0x3a: {  	s26 =	sshra.s32 s31, $0x2;
	v3 =	vld.idx.msk [tilespmem:v0+s27+$0x20 ss:$0x1], $0xffff  }
0x3b: {  	v4 =	vld.idx.msk [tilespmem:v0+s27+$0x30 ss:$0x1], $0xffff;
	s26 =	sadd.s32 s26, s23  }
0x3c: {  	v5 =	vld.idx.msk [tilespmem:v0+s27+$0x40 ss:$0x1], $0xffff;
	s26 =	sadd.s32 s25, s26  }
0x3d: {  	[tilespmem:s26+$0x0 ss:$0x41] =	vst.msk $0xffff, v1;
	v1 =	vld.idx.msk [tilespmem:v0+s27+$0x50 ss:$0x1], $0xffff  }
0x3e: {  	[tilespmem:s26+$0x410 ss:$0x41] =	vst.msk $0xffff, v2;
	v2 =	vld.idx.msk [tilespmem:v0+s27+$0x60 ss:$0x1], $0xffff  }
0x3f: {  	p1 =	por p0, p0;
	[tilespmem:s26+$0x820 ss:$0x41] =	vst.msk $0xffff, v3;
	v3 =	vld.idx.msk [tilespmem:v0+s27+$0x70 ss:$0x1], $0xffff  }
.Ltmp3:
0x40: {  	[tilespmem:s26+$0xC30 ss:$0x41] =	vst.msk $0xffff, v4;
	(pc) =	sbr.rel @p1 .LBB1_4-.Ltmp3, $4  }
0x41: {  	[tilespmem:s26+$0x1040 ss:$0x41] =	vst.msk $0xffff, v5  }
0x42: {  	[tilespmem:s26+$0x1450 ss:$0x41] =	vst.msk $0xffff, v1  }
0x43: {  	[tilespmem:s26+$0x1860 ss:$0x41] =	vst.msk $0xffff, v2  }
0x44: {  	p0 =	por $0x0, $0x0;
	[tilespmem:s26+$0x1C70 ss:$0x41] =	vst.msk $0xffff, v3;
	s26 =	simm.s32 $0x1  }
0x45: {  	s25 =	sadd.s32 $0x1, s25  }
0x46: {  	p0 =	sne.s32 s25, $0x40  }
.Ltmp4:
0x47: {  	_ = 	snop;
	(pc) =	sbr.rel @p0 .LBB1_3-.Ltmp4, $1  }
0x48: {  	_ =	sdelay $0x3  }
0x49: {  	s20 =	sshll.u32 s20, $0x7;
	s24 =	sshll.u32 s17, $0x3;
	s21 =	sshll.u32 s21, $0x12  }
0x4a: {  	s19 =	sshll.u32 s19, $0xE;
	s18 =	sshll.u32 s18, $0x13;
	s29 =	sshrl.u32 s17, $0x3  }
0x4b: {  	s30 =	sand.u32 $0x7, s17;
	s25 =	sand.u32 $0x1FC00, s20;
	s24 =	sand.u32 $0x1FC00, s24  }
0x4c: {  	s20 =	sand.u32 $0x380, s20;
	s28 =	sadd.s32 s21, s19;
	s17 =	sshll.u32 s30, $0x12  }
0x4d: {  	s21 =	sadd.s32 s21, s8;
	s24 =	sadd.s32 s24, s25;
	s25 =	sand.u32 $0xF, s29  }
0x4e: {  	s19 =	sadd.s32 s19, s21;
	s20 =	sor.u32 s20, s24;
	s24 =	sadd.s32 s4, s28  }
0x4f: {  	s20 =	sshrl.u32 s20, $0x3;
	s24 =	sadd.s32 s18, s24;
	s18 =	sadd.s32 s18, s19  }
.Ltmp5:
0x50: {  	s20 =	sand.u32 $0x3FF0, s20;
	s24 =	sadd.s32 s25, s24;
	(pc) =	sbr.rel .LBB1_7-.Ltmp5, $4  }
0x51: {  	s17 =	sor.u32 $0x40, s17;
	s18 =	sadd.s32 s25, s18;
	s24 =	sadd.s32 s20, s24  }
0x52: {  	[hbm4b:s24+s17] =	stream.strided.scatter [tilespmem:s23], [sflag:$0x2], $0x2000, s10, s17, $0x18;
	[tilespmem:$0x10200] =	vst v63  }
0x53: {  	s31 =	sadd.s32 $0xA080, s22;
	s18 =	sadd.s32 s20, s18  }
0x54: {  	[hbm4b:s18+s17] =	stream.strided.scatter [tilespmem:s31], [sflag:$0x2], $0x2000, s10, s17, $0x18;
	[tilespmem:$0x10200] =	vst v63  }
.LBB1_8:
0x55: {  	_ =	sfence.sel $0x180000  }
0x56: {  	s2 =	simm.s32 $0x1;
	[bflag:$0x0] =	sbarrier.arrive $0xFFFF  }
0x57: {  	s31 =	simm.s32 $0x2;
	[sflag:s2] =	ssyncpa.u1 $0x1  }
0x58: {  	[sflag:s31] =	ssyncpa.u1 $0x1  }
0x59: {  	p0 =	sne.s32 s1, $0x0;
	_ =	strace $0x90000047  }
0x5a: {  	s0 =	sadd.s32 @!p0 $0x100000, s0;
	[bflag:$0x2] =	sbarrier.arrive $0xFFFF  }
0x5b: {  	[sflag:s0] =	ssyncadd.tile.s32 @!p0 $0x1;
	_ =	shalt  }
.Lfunc_end1:
_tile_overlayer_lowered:
.L_overlay_start_2:
0x5c: {  	(tag) =	ssettag $0x2  }
0x5d: {  	s0 =	rddreg [dreg:$0x0];
	s2 =	stileid.u32  }
0x5e: {  	s1 =	rddreg [dreg:$0x1];
	p0 =	sne.s32 s2, $0x0  }
0x5f: {  	s3 =	rddreg [dreg:$0x2];
	[bflag:$0x3] =	sbarrier.arrive $0xFFFF;
	s2 =	simm.s32 @!p0 $0x1C01  }
0x60: {  	[timem:s3], [sflag:s2] =	dma.local @!p0 [hbm:s0], s1  }
0x61: {  	s0 =	simm.s32 @!p0 $0x1  }
0x62: {  	_ =	swait.ge @!p0 [sflag:s0], s1  }
0x63: {  	s1 =	ssub.s32 @!p0 $0x0, s1;
	[sflag:s0] =	ssyncset.done @!p0 $0x0  }
0x64: {  	[sflag:s0] =	ssyncadd.s32 @!p0 s1  }
0x65: {  	[bflag:$0x3] =	sbarrier.arrive $0xFFFF  }
0x66: {  	_ =	shalt  }

// kernel: sparse-core-data-format-call.cloned.1.call-start
scs
called_computation_lowered:
.L_overlay_start_0:
0x0: {  	s1 =	sld [smem:$0x3FD9]  }
0x1: {  	s2 =	sld [smem:$0x3FFE];
	_ =	sdelay $0x1  }
0x2: {  	s3 =	srdreg.scid  }
0x3: {  	s0 =	sand.u32 $0x1, s3  }
0x4: {  	s17 =	sshll.u32 s0, $0xA;
	s1 =	sadd.s32 s2, s1  }
0x5: {  	s1 =	sadd.s32 s1, s17  }
0x6: {  	[smem:$0x3FC5] =	sst s1  }
0x7: {  	_ = 	snop  }
0x8: {  	(tm) =	ssettm $0x1  }
0x9: {  	s18 =	sld [smem:$0x3FFB];
	_ =	sdelay $0x3  }
0xa: {  	_ =	strace s18  }
0xb: {  	s1 =	sld [smem:$0x3FFC];
	_ =	sdelay $0x3  }
0xc: {  	_ =	strace s1  }
0xd: {  	s1 =	sld [smem:$0x3FFD];
	_ =	sdelay $0x3  }
0xe: {  	_ =	strace s1  }
0xf: {  	_ =	strace $0x8FFFFFFF  }
0x10: {  	s19 =	sld [smem:$0x3FDB];
	_ =	sdelay $0x1  }
0x11: {  	s20 =	simm.s32 $_scs_section_size  }
0x12: {  	s4 =	simm.s32 $_size__tile_overlayer_lowered;
	s5 =	simm.s32 $_tile_overlayer_lowered  }
0x13: {  	s23 =	simm.s32 $0x1BFF;
	s22 =	sshll.u32 s5, $0x1;
	s1 =	sadd.s32 s20, s19  }
0x14: {  	s6 =	simm.s32 $0x0;
	s21 =	sshll.u32 s4, $0x1;
	s4 =	sadd.s32 s22, s1  }
0x15: {  	[timem:s6], [sflag:s23] =	dma.local [hbm:s4], s21  }
0x16: {  	_ =	swait.ge [sflag:s23], s21  }
0x17: {  	s2 =	ssub.s32 $0x0, s21;
	[sflag:s23] =	ssyncset.done $0x0  }
0x18: {  	[sflag:s23] =	ssyncadd.s32 s2;
	_ =	sdelay $0x1  }
0x19: {  	s24 =	simm.s32 $0x1B8B  }
0x1a: {  	_ =	swait.ge [sflag:s24], $0x1  }
0x1b: {  	[sflag:s24] =	ssyncset.done $0x0  }
0x1c: {  	s26 =	simm.s32 $0x1B8E;
	s25 =	sld [smem:$0x3FFE];
	[sflag:s24] =	ssyncadd.s32 $0xFFFFFFFF  }
0x1d: {  	s27 =	simm.s32 $execute0_lowered;
	[smem:$0x3FD2] =	sst s26  }
0x1e: {  	s4 =	sshll.u32 s27, $0x1;
	_ =	strace $0x8000004F;
	[dreg:$0x1] =	wrdreg $0xFFFFFFFF  }
0x1f: {  	s28 =	simm.s32 $_size_execute0_lowered;
	s1 =	sadd.s32 s1, s4;
	[dreg:$0x0] =	wrdreg $0x0  }
0x20: {  	s4 =	sshll.u32 s28, $0x1;
	[dreg:$0x2] =	wrdreg s1  }
0x21: {  	[dreg:$0x3] =	wrdreg s4  }
0x22: {  	[dreg:$0x4] =	wrdreg $0xC0  }
0x23: {  	_ =	task [dreg:s6], $0x5FFFF  }
0x24: {  	[dreg:$0x1] =	wrdreg $0xFFFFFFFF  }
0x25: {  	[dreg:$0x0] =	wrdreg $0x60  }
0x26: {  	[dreg:$0x2] =	wrdreg s25  }
0x27: {  	[dreg:$0x3] =	wrdreg $0x9  }
0x28: {  	_ =	task.clear_ibuf [dreg:s6], $0x4FFFF;
	_ =	strace $0x9000004F  }
0x29: {  	s29 =	simm.s32 $0x9;
	_ =	strace $0x80000051  }
0x2a: {  	_ =	swait.ge [sflag:s29], $0x1  }
0x2b: {  	[sflag:s29] =	ssyncadd.s32 $0xFFFFFFFF  }
0x2c: {  	_ =	strace $0x90000051  }
0x2d: {  	_ =	sfence  }
0x2e: {  	s30 =	sld [smem:$0x0];
	_ =	sdelay $0x2  }
0x2f: {  	s31 =	sshll.u32 s3, $0xD;
	s3 =	sshrl.u32 s3, $0x2  }
0x30: {  	s2 =	sand.u32 $0x4000, s31;
	s1 =	sadd.s32 s3, s30  }
0x31: {  	s0 =	sor.u32 s2, s0;
	s1 =	sshll.u32 s1, $0x11  }
0x32: {  	s0 =	sor.u32 s1, s0  }
0x33: {  	s0 =	sadd.s32 $0x8F2B, s0  }
0x34: {  	[sflag:s0] =	ssyncadd.remote.s32 $0x1  }
0x35: {  	_ =	sfence.sel $0xFFFF  }
0x36: {  	[dreg:$0x0] =	wrdreg $0xFFFFFFFF;
	(pc) =	sbr.abs _section_cstart, $3  }
0x37: {  	[dreg:$0x1] =	wrdreg $0xFFFFFFFF  }
0x38: {  	_ =	task.clear_ibuf [dreg:s6], $0x2FFFF;
	_ =	strace $0x9FFFFFFF  }
0x39: {  	(tm) =	ssettm $0x7FFFFFFF  }
tec
execute0_lowered:
.L_overlay_start_1:
0x0: {  	(tag) =	ssettag $0x1  }
0x1: {  	s1 =	srdreg.scid  }
0x2: {  	s0 =	stileid.u32;
	s9 =	rddreg [dreg:$0x0]  }
0x3: {  	s10 =	simm.s32 $0x2;
	s17 =	simm.s32 $0x0;
	s11 =	simm.s32 $0x1000  }
0x4: {  	s18 =	simm.s32 $0x0;
	s19 =	simm.s32 $0x0;
	s1 =	sshll.u32 s1, $0x4  }
0x5: {  	s20 =	simm.s32 $0x0;
	s3 =	sshrl.u32 s0, $0x2;
	s1 =	sor.u32 s0, s1  }
0x6: {  	s12 =	simm.s32 $0x0;
	s3 =	sand.u32 $0x1, s3;
	s1 =	sshrl.u32 s1, $0x2  }
0x7: {  	s16 =	simm.s32 $0x0;
	s5 =	ssub.s32 $0x2, s3;
	s2 =	sand.u32 $0x6, s1  }
0x8: {  	s14 =	smov.u32 s3;
	s1 =	rddreg [dreg:$0x1];
	s4 =	ssub.s32 $0x10, s2  }
0x9: {  	_ =	strace $0x80000050;
	s7 =	sshrl.u32 s5, $0x1;
	s6 =	sand.u32 $0x6, s4  }
0xa: {  	s5 =	sand.u32 $0x1, s5;
	p0 =	sne.s32 s6, $0x0;
	s6 =	simm.s32 $0x1  }
0xb: {  	s7 =	sadd.s32 s5, s7;
	s8 =	sshrl.u32 s4, $0x3;
	s6 =	simm.s32 @!p0 $0x0  }
.Ltmp0:
0xc: {  	s5 =	sadd.s32 $0x1A00, s9;
	s8 =	sadd.s32 s6, s8;
	(pc) =	sbr.rel .LBB1_1-.Ltmp0, $4  }
0xd: {  	s13 =	smov.u32 s2;
	s4 =	sadd.s32 $0x801A00, s9;
	s8 =	smul.u32 s8, s7  }
0xe: {  	s9 =	sadd.s32 $0x805A00, s9;
	p0 =	por $0x0, $0x0;
	s6 =	simm.s32 $0x1  }
0xf: {  	s7 =	sand.u32 $0x3, s0;
	[sflag:s6] =	ssyncpa.u1 $0x0;
	s8 =	sshll.u32 s8, $0x3  }
0x10: {  	[sflag:s10] =	ssyncpa.u1 $0x0;
	s15 =	smov.u32 s7;
	s10 =	sor.u32 $0x1, s8  }
.LBB1_7:
0x11: {  	s21 =	sadd.s32 $0x80, s12  }
0x12: {  	s17 =	sadd.s32 $0x8, s13;
	s22 =	smov.u32 s13;
	p2 =	sgt.s32 s21, $0x3FF  }
0x13: {  	s22 =	smov.u32 @p2 s17  }
0x14: {  	s23 =	smov.u32 s14;
	s17 =	sadd.s32 $0x2, s14;
	p3 =	sgt.s32 s22, $0xF  }
0x15: {  	s23 =	smov.u32 @p3 s17  }
0x16: {  	s24 =	smov.u32 s15;
	s17 =	sadd.s32 $0x4, s15;
	p4 =	sgt.s32 s23, $0x1  }
0x17: {  	p1 =	slt.u32 s16, $0x2;
	s24 =	smov.u32 @p4 s17  }
0x18: {  	s18 =	smov.u32 s13;
	s21 =	simm.s32 @p2 $0x0;
	p2 =	sgt.s32 s24, $0x3  }
0x19: {  	s25 =	simm.s32 @!p1 $0x2;
	s24 =	smov.u32 @p2 s7;
	p2 =	sne.s32 s16, s10  }
.Ltmp1:
0x1a: {  	s19 =	smov.u32 s14;
	_ =	swait.ge @!p1 [sflag:s25], $0x4000;
	(pc) =	sbr.rel @!p2 .LBB1_8-.Ltmp1, $4  }
0x1b: {  	s20 =	smov.u32 s15;
	[sflag:s25] =	ssyncset.done @!p1 $0x0;
	s22 =	smov.u32 @p3 s2  }
0x1c: {  	p0 =	por !p0, !p0;
	[sflag:s25] =	ssyncadd.s32 @!p1 $0xFFFFC000;
	s13 =	smov.u32 s22  }
0x1d: {  	s23 =	smov.u32 @p4 s3;
	s17 =	smov.u32 s12;
	s12 =	smov.u32 s21  }
0x1e: {  	s14 =	smov.u32 s23;
	s16 =	sadd.s32 $0x1, s16;
	s15 =	smov.u32 s24  }
.LBB1_1:
0x1f: {  	p1 =	sge.u32 s16, s8  }
0x20: {  	s21 =	sshll.u32 @!p1 s15, $0x13  }
0x21: {  	s22 =	sshll.u32 @!p1 s14, $0x12;
	s23 =	sxor.u32 @!p1 $0xFFFFFFFF, s16;
	s25 =	sshll.u32 @!p1 s12, $0x4  }
0x22: {  	s26 =	simm.s32 @!p1 $0x40;
	s21 =	sadd.s32 @!p1 s21, s22;
	s22 =	sshll.u32 @!p1 s13, $0xE  }
0x23: {  	s27 =	simm.s32 @!p1 $0x80;
	s23 =	sshll.u32 @!p1 s23, $0xE;
	s24 =	sadd.s32 @!p1 s22, s21  }
0x24: {  	s25 =	sand.u32 @!p1 $0x3FF0, s25;
	s22 =	sadd.s32 @!p1 s22, s9;
	s24 =	sadd.s32 @!p1 s4, s24  }
0x25: {  	s23 =	sand.u32 @!p1 $0x4000, s23;
	s21 =	sadd.s32 @!p1 s21, s22;
	s24 =	sadd.s32 @!p1 s25, s24  }
0x26: {  	[tilespmem:s23], [sflag:$0x1] =	stream.strided.gather @!p1 [hbm4b:s24+s26], $0x2000, s27, s26, $0x38;
	[tilespmem:$0x10100] =	vst v63  }
0x27: {  	s31 =	sadd.s32 $0xFFFFFFFF, s16;
	s22 =	sor.u32 @!p1 $0x2000, s23;
	s21 =	sadd.s32 @!p1 s25, s21  }
0x28: {  	[tilespmem:s22], [sflag:$0x1] =	stream.strided.gather @!p1 [hbm4b:s21+s26], $0x2000, s27, s26, $0x38;
	[tilespmem:$0x10100] =	vst v63  }
0x29: {  	p1 =	sge.u32 s31, s8  }
.Ltmp2:
0x2a: {  	_ = 	snop;
	(pc) =	sbr.rel @p1 .LBB1_7-.Ltmp2, $1  }
0x2b: {  	_ =	sdelay $0x3  }
0x2c: {  	s21 =	simm.s32 $0x1;
	s23 =	sand.u32 $0x1, s16  }
0x2d: {  	_ =	swait.ge [sflag:s6], $0x4000;
	s21 =	simm.s32 @!p0 $0x0;
	s23 =	smul.u32 $0x10200, s23  }
0x2e: {  	p2 =	por $0x1, $0x1;
	[sflag:s6] =	ssyncset.done $0x0;
	s22 =	smul.u32 $0x10200, s21  }
0x2f: {  	s24 =	sshll.u32 s21, $0x10;
	[sflag:s6] =	ssyncadd.s32 $0xFFFFC000;
	s30 =	sshrl.u32 s23, $0x2  }
0x30: {  	s31 =	sshrl.u32 s24, $0x2;
	s24 =	simm.s32 $0x0;
	s22 =	sshrl.u32 s22, $0x2  }
0x31: {  	s21 =	sor.u32 $0x8000, s30;
	s23 =	sadd.s32 $0x20, s31;
	s22 =	sor.u32 $0x8000, s22  }
.LBB1_3:
0x32: {  	s25 =	sshll.u32 s24, $0xD  }
0x33: {  	s25 =	sand.u32 $0x3FFFE000, s25  }
0x34: {  	s27 =	sadd.s32 s25, s23  }
0x35: {  	s31 =	smul.u32 $0x8100, s24;
	v3 =	vld [tilespmem:s27+$0x10]  }
0x36: {  	v1 =	vld [tilespmem:s27+$0xFFFFFFF0]  }
0x37: {  	s24 =	sshra.s32 s31, $0x2;
	v0 =	vld [tilespmem:s27+$0x0]  }
0x38: {  	s24 =	sadd.s32 s24, s22;
	v2 =	vld [tilespmem:s27+$0xFFFFFFE0]  }
0x39: {  	s25 =	sadd.s32 $0x0, s24  }
0x3a: {  	p1 =	por p2, p2;
	s26 =	simm.s32 $0x4;
	s27 =	sadd.s32 $0x40, s27;
	[tilespmem:s25+$0x1830 ss:$0x81] =	vst.msk $0xffff, v3  }
.LBB1_4:
0x3b: {  	v3 =	vld [tilespmem:s27+$0x10];
	p2 =	sne.s32 s26, $0x1FC;
	[tilespmem:s25+$0x810 ss:$0x81] =	vst.msk $0xffff, v1;
	s28 =	smov.u32 s26;
	s26 =	sadd.s32 $0x4, s26  }
.Ltmp3:
0x3c: {  	v1 =	vld [tilespmem:s27+$0xFFFFFFF0];
	[tilespmem:s25+$0x1020 ss:$0x81] =	vst.msk $0xffff, v0;
	(pc) =	sbr.rel @p2 .LBB1_4-.Ltmp3, $4  }
0x3d: {  	v0 =	vld [tilespmem:s27+$0x0];
	[tilespmem:s25+$0x0 ss:$0x81] =	vst.msk $0xffff, v2  }
0x3e: {  	s25 =	sshra.s32 s28, $0x2;
	v2 =	vld [tilespmem:s27+$0xFFFFFFE0]  }
0x3f: {  	s25 =	sadd.s32 s25, s24  }
0x40: {  	s27 =	sadd.s32 $0x40, s27;
	[tilespmem:s25+$0x1830 ss:$0x81] =	vst.msk $0xffff, v3  }
.Ltmp4:
0x41: {  	(pc) =	sbr.rel @p1 .LBB1_3-.Ltmp4, $4  }
0x42: {  	_ = 	snop  }
0x43: {  	[tilespmem:s25+$0x810 ss:$0x81] =	vst.msk $0xffff, v1  }
0x44: {  	[tilespmem:s25+$0x1020 ss:$0x81] =	vst.msk $0xffff, v0  }
0x45: {  	s24 =	simm.s32 $0x1;
	p2 =	por $0x0, $0x0;
	[tilespmem:s25+$0x0 ss:$0x81] =	vst.msk $0xffff, v2  }
0x46: {  	s20 =	sshll.u32 s20, $0x7;
	s22 =	sand.u32 $0x78, s17;
	s23 =	sshll.u32 s17, $0x2  }
0x47: {  	s19 =	sshll.u32 s19, $0x13;
	s18 =	sshll.u32 s18, $0xF;
	s29 =	sshrl.u32 s17, $0x1  }
0x48: {  	s30 =	sand.u32 $0x7, s17;
	s20 =	sand.u32 $0x180, s20;
	s23 =	sand.u32 $0x200, s23  }
.Ltmp5:
0x49: {  	s19 =	sadd.s32 s5, s19;
	s20 =	sor.u32 s20, s22;
	(pc) =	sbr.rel .LBB1_7-.Ltmp5, $4  }
0x4a: {  	s22 =	sand.u32 $0x180, s29;
	s18 =	sadd.s32 s18, s19;
	s20 =	sor.u32 s23, s20  }
0x4b: {  	s17 =	sshll.u32 s30, $0x12;
	s18 =	sadd.s32 s22, s18;
	s31 =	sshrl.u32 s20, $0x3  }
0x4c: {  	s17 =	sor.u32 $0x80, s17;
	s18 =	sadd.s32 s31, s18  }
0x4d: {  	[hbm4b:s18+s17] =	stream.strided.scatter [tilespmem:s21], [sflag:$0x2], $0x4000, s11, s17, $0x20;
	[tilespmem:$0x10100] =	vst v63  }
.LBB1_8:
0x4e: {  	_ =	sfence.sel $0x180000  }
0x4f: {  	s2 =	simm.s32 $0x1;
	[bflag:$0x0] =	sbarrier.arrive $0xFFFF  }
0x50: {  	s31 =	simm.s32 $0x2;
	[sflag:s2] =	ssyncpa.u1 $0x1  }
0x51: {  	[sflag:s31] =	ssyncpa.u1 $0x1  }
0x52: {  	p0 =	sne.s32 s0, $0x0;
	_ =	strace $0x90000050  }
0x53: {  	s0 =	sadd.s32 @!p0 $0x100000, s1;
	[bflag:$0x2] =	sbarrier.arrive $0xFFFF  }
0x54: {  	[sflag:s0] =	ssyncadd.tile.s32 @!p0 $0x1;
	_ =	shalt  }
.Lfunc_end1:
_tile_overlayer_lowered:
.L_overlay_start_2:
0x55: {  	(tag) =	ssettag $0x2  }
0x56: {  	s0 =	rddreg [dreg:$0x0];
	s2 =	stileid.u32  }
0x57: {  	s1 =	rddreg [dreg:$0x1];
	p0 =	sne.s32 s2, $0x0  }
0x58: {  	s3 =	rddreg [dreg:$0x2];
	[bflag:$0x3] =	sbarrier.arrive $0xFFFF;
	s2 =	simm.s32 @!p0 $0x1C01  }
0x59: {  	[timem:s3], [sflag:s2] =	dma.local @!p0 [hbm:s0], s1  }
0x5a: {  	s0 =	simm.s32 @!p0 $0x1  }
0x5b: {  	_ =	swait.ge @!p0 [sflag:s0], s1  }
0x5c: {  	s1 =	ssub.s32 @!p0 $0x0, s1;
	[sflag:s0] =	ssyncset.done @!p0 $0x0  }
0x5d: {  	[sflag:s0] =	ssyncadd.s32 @!p0 s1  }
0x5e: {  	[bflag:$0x3] =	sbarrier.arrive $0xFFFF  }
0x5f: {  	_ =	shalt  }

</sc_bundles>
